<compile_context>
chip_gen: v7x
topology: tpu7x:2x2x1
jax: 0.10.2.dev20260603
libtpu: 0.0.44.dev20260713+nightly
codegen_flags: <defaults>
</compile_context>

<pallas_src>
import functools

import jax
import jax.numpy as jnp
from jax import lax
from jax.experimental import pallas as pl
from jax.experimental.pallas import tpu as pltpu
from jax.experimental.pallas import tpu_sc as plsc

B = 64
L = 50
BL = B * L
H = 200
HP = 256
G3 = 3 * HP
E = 100
EP = 128
BL_PAD = 3328


def _sc_gather(table, idx):
    info = plsc.get_sparse_core_info()
    nc, ns = info.num_cores, info.num_subcores
    nw = nc * ns
    b_per_w = BL_PAD // nw

    mesh = plsc.VectorSubcoreMesh(core_axis_name="c", subcore_axis_name="s")

    @functools.partial(
        pl.kernel,
        mesh=mesh,
        out_type=jax.ShapeDtypeStruct((BL_PAD, EP), jnp.float32),
        scratch_types=[
            pltpu.VMEM((b_per_w,), jnp.int32),
            pltpu.VMEM((b_per_w, EP), jnp.float32),
            pltpu.SemaphoreType.DMA,
        ],
    )
    def gather_kernel(table_hbm, idx_hbm, out_hbm, idx_v, rows_v, sem):
        wid = lax.axis_index("s") * nc + lax.axis_index("c")
        base = wid * b_per_w
        pltpu.sync_copy(idx_hbm.at[pl.ds(base, b_per_w)], idx_v)
        pltpu.async_copy(table_hbm.at[idx_v], rows_v, sem).wait()
        pltpu.sync_copy(rows_v, out_hbm.at[pl.ds(base, b_per_w)])

    return gather_kernel(table, idx)


def _gate_pad_rows(W):
    lead = W.shape[:-2]
    cin = W.shape[-1]
    Wg = W.reshape(lead + (3, H, cin))
    pad = [(0, 0)] * len(lead) + [(0, 0), (0, HP - H), (0, 0)]
    return jnp.pad(Wg, pad).reshape(lead + (G3, cin))


def _in_remap(W):
    z = jnp.zeros(W.shape[:-1] + (HP - H,), W.dtype)
    return jnp.concatenate([W[..., 0:H], z, W[..., H:2 * H], z], axis=-1)


def _nt(a, b):
    return lax.dot_general(a, b, (((1,), (1,)), ((), ())),
                           preferred_element_type=jnp.float32)


def _tc_body(x_ref, wih0, wih12, whh, bih, bhh,
             w1a, w1b, b1, w11, b11, w2p, b2,
             out_ref, gf, gb, y1, y2):
    xin = (x_ref, y1, y2)
    yout = (y1, y2, None)

    finals = []
    for l in range(3):
        wf = wih0[0] if l == 0 else wih12[2 * l - 2]
        wb = wih0[1] if l == 0 else wih12[2 * l - 1]
        bf = bih[2 * l:2 * l + 1, :]
        bb = bih[2 * l + 1:2 * l + 2, :]
        nch = 4
        rows = BL // nch
        for c in range(nch):
            if l == 0:
                xs = x_ref[c * rows:(c + 1) * rows, :].astype(jnp.bfloat16)
            else:
                xs = xin[l][c * rows:(c + 1) * rows, :]
            gf[c * rows:(c + 1) * rows, :] = _nt(xs, wf) + bf
            gb[c * rows:(c + 1) * rows, :] = _nt(xs, wb) + bb

        whf = whh[2 * l]
        whb = whh[2 * l + 1]
        bhf = bhh[2 * l:2 * l + 1, :]
        bhb = bhh[2 * l + 1:2 * l + 2, :]
        ydst = yout[l]

        def step(t, h, whf=whf, whb=whb, bhf=bhf, bhb=bhb, ydst=ydst):
            gif = gf[pl.ds(t * B, B), :]
            gib = gb[pl.ds((L - 1) * B - t * B, B), :]
            gi = jnp.concatenate([gif, gib], axis=0)
            hb16 = h.astype(jnp.bfloat16)
            ghf = lax.dot(hb16[0:B], whf, preferred_element_type=jnp.float32) + bhf
            ghb = lax.dot(hb16[B:2 * B], whb, preferred_element_type=jnp.float32) + bhb
            gh = jnp.concatenate([ghf, ghb], axis=0)
            rz = jax.nn.sigmoid(gi[:, 0:2 * HP] + gh[:, 0:2 * HP])
            r = rz[:, 0:HP]
            z = rz[:, HP:2 * HP]
            n = jnp.tanh(gi[:, 2 * HP:G3] + r * gh[:, 2 * HP:G3])
            hn = (1.0 - z) * n + z * h
            if ydst is not None:
                hnb = hn.astype(jnp.bfloat16)
                ydst[pl.ds(t * B, B), 0:HP] = hnb[0:B]
                ydst[pl.ds((L - 1) * B - t * B, B), HP:2 * HP] = hnb[B:2 * B]
            return hn

        h = lax.fori_loop(0, L, step, jnp.zeros((2 * B, HP), jnp.float32))
        finals.append(h[0:B])
        finals.append(h[B:2 * B])

    x1c = jnp.concatenate([f[:, 0:H] for f in finals], axis=1)
    h1 = jnp.maximum(_nt(x1c[:, 0:560], w1a[:, 80:640])
                     + _nt(x1c[:, 560:1200], w1b[...]) + b1[...], 0.0)
    h2 = jnp.maximum(_nt(h1, w11[...]) + b11[...], 0.0)
    out_ref[...] = jnp.maximum(_nt(h2, w2p[...]) + b2[...], 0.0)


def _tc_forward(x, args):
    full = pl.BlockSpec()
    in_specs = [full] * 6 + [pl.BlockSpec((1000, 640), lambda i: (0, 3)),
                             pl.BlockSpec((1000, 640), lambda i: (0, 4))] + [full] * 5
    return pl.pallas_call(
        _tc_body,
        out_shape=jax.ShapeDtypeStruct((B, 128), jnp.float32),
        grid=(1,),
        in_specs=in_specs,
        scratch_shapes=[
            pltpu.VMEM((BL, G3), jnp.float32),
            pltpu.VMEM((BL, G3), jnp.float32),
            pltpu.VMEM((BL, 2 * HP), jnp.bfloat16),
            pltpu.VMEM((BL, 2 * HP), jnp.bfloat16),
        ],
    )(x, *args)


def kernel(dataTokens, embed,
           Wih0f, Whh0f, bih0f, bhh0f, Wih0b, Whh0b, bih0b, bhh0b,
           Wih1f, Whh1f, bih1f, bhh1f, Wih1b, Whh1b, bih1b, bhh1b,
           Wih2f, Whh2f, bih2f, bhh2f, Wih2b, Whh2b, bih2b, bhh2b,
           W1, b1, W11, b11, W2, b2):
    bft = jnp.bfloat16
    idx = dataTokens.T.reshape(-1).astype(jnp.int32)
    idx = jnp.pad(idx, (0, BL_PAD - BL))
    table = jnp.pad(embed, ((0, 0), (0, EP - E)))
    rows = _sc_gather(table, idx)

    wih0 = _gate_pad_rows(jnp.stack([Wih0f, Wih0b]))
    wih0 = jnp.pad(wih0, ((0, 0), (0, 0), (0, EP - E))).astype(bft)
    wih12 = _in_remap(_gate_pad_rows(
        jnp.stack([Wih1f, Wih1b, Wih2f, Wih2b]))).astype(bft)
    whh = _gate_pad_rows(jnp.stack(
        [Whh0f, Whh0b, Whh1f, Whh1b, Whh2f, Whh2b]))
    whh = jnp.pad(jnp.swapaxes(whh, 1, 2),
                  ((0, 0), (0, HP - H), (0, 0))).astype(bft)
    bih = jnp.pad(jnp.stack([bih0f, bih0b, bih1f, bih1b, bih2f, bih2b])
                  .reshape(6, 3, H), ((0, 0), (0, 0), (0, HP - H))).reshape(6, G3)
    bhh = jnp.pad(jnp.stack([bhh0f, bhh0b, bhh1f, bhh1b, bhh2f, bhh2b])
                  .reshape(6, 3, H), ((0, 0), (0, 0), (0, HP - H))).reshape(6, G3)

    w2p = jnp.pad(W2, ((0, 128 - 4), (0, 0)))
    b2p = jnp.pad(b2, (0, 128 - 4)).reshape(1, 128)

    out = _tc_forward(rows, (wih0, wih12, whh, bih, bhh, W1, W1,
                             b1.reshape(1, 1000), W11, b11.reshape(1, 500),
                             w2p, b2p))
    return out[:, 0:4]

# --- scband reference (transcript-rebuilt; emitter-appended) ---
"""Pipeline reference for scband-php-net-graph-tokens-combine-42219528519744 (READ-ONLY COPY).

The authoritative reference and input builder live on the scoring server;
editing this copy changes nothing except your own understanding.
"""

import jax, jax.numpy as jnp
import numpy as np


def _gru_dir(x, Wih, Whh, bih, bhh, reverse):
    # x: [L, B, in]; PyTorch GRU gate order: r, z, n
    if reverse:
        x = x[::-1]
    h0 = jnp.zeros((x.shape[1], Whh.shape[1]), dtype=x.dtype)
    def step(h, xt):
        gi = xt @ Wih.T + bih
        gh = h @ Whh.T + bhh
        ir, iz, i_n = jnp.split(gi, 3, axis=-1)
        hr, hz, h_n = jnp.split(gh, 3, axis=-1)
        r = jax.nn.sigmoid(ir + hr)
        z = jax.nn.sigmoid(iz + hz)
        n = jnp.tanh(i_n + r * h_n)
        h_new = (1.0 - z) * n + z * h
        return h_new, h_new
    hT, ys = jax.lax.scan(step, h0, x)
    if reverse:
        ys = ys[::-1]
    return ys, hT


def setup_inputs(seed: int = 0):
    key = jax.random.key(seed)
    keys = jax.random.split(key, 40)
    ki = iter(keys)
    B, L, V, E, H = 64, 50, 5000, 100, 200
    inp = {}
    inp['dataTokens'] = jax.random.randint(next(ki), (B, L), 0, V, dtype=jnp.int32)
    inp['embed'] = jax.random.normal(next(ki), (V, E), dtype=jnp.float32) * 0.05
    ins = [E, 2 * H, 2 * H]
    for l in range(3):
        for d in ['f', 'b']:
            inp['Wih' + str(l) + d] = jax.random.normal(next(ki), (3 * H, ins[l]), dtype=jnp.float32) * 0.05
            inp['Whh' + str(l) + d] = jax.random.normal(next(ki), (3 * H, H), dtype=jnp.float32) * 0.05
            inp['bih' + str(l) + d] = jnp.zeros((3 * H,), dtype=jnp.float32)
            inp['bhh' + str(l) + d] = jnp.zeros((3 * H,), dtype=jnp.float32)
    inp['W1'] = jax.random.normal(next(ki), (1000, 2000 + 6 * H), dtype=jnp.float32) * 0.02
    inp['b1'] = jnp.zeros((1000,), dtype=jnp.float32)
    inp['W11'] = jax.random.normal(next(ki), (500, 1000), dtype=jnp.float32) * 0.02
    inp['b11'] = jnp.zeros((500,), dtype=jnp.float32)
    inp['W2'] = jax.random.normal(next(ki), (4, 500), dtype=jnp.float32) * 0.02
    inp['b2'] = jnp.zeros((4,), dtype=jnp.float32)
    return inp


def reference(dataTokens, embed, Wih0f, Whh0f, bih0f, bhh0f, Wih0b, Whh0b, bih0b, bhh0b, Wih1f, Whh1f, bih1f, bhh1f, Wih1b, Whh1b, bih1b, bhh1b, Wih2f, Whh2f, bih2f, bhh2f, Wih2b, Whh2b, bih2b, bhh2b, W1, b1, W11, b11, W2, b2):
    B = dataTokens.shape[0]
    # embedding lookup (SparseCore gather)
    x1 = jnp.take(embed, dataTokens, axis=0)  # [B, L, 100]
    x = jnp.transpose(x1, (1, 0, 2))  # [L, B, 100]
    layers = [
        (Wih0f, Whh0f, bih0f, bhh0f, Wih0b, Whh0b, bih0b, bhh0b),
        (Wih1f, Whh1f, bih1f, bhh1f, Wih1b, Whh1b, bih1b, bhh1b),
        (Wih2f, Whh2f, bih2f, bhh2f, Wih2b, Whh2b, bih2b, bhh2b),
    ]
    finals = []
    for (Wf, Uf, bf, cf, Wb, Ub, bb, cb) in layers:
        yf, hf = _gru_dir(x, Wf, Uf, bf, cf, False)
        yb, hb = _gru_dir(x, Wb, Ub, bb, cb, True)
        x = jnp.concatenate([yf, yb], axis=-1)
        finals.extend([hf, hb])
    # hidden1[0],[1],[2],[-3]=[3],[-2]=[4],[-1]=[5]
    x1c = jnp.concatenate([finals[0], finals[1], finals[2], finals[3], finals[4], finals[5]], axis=1)  # [B, 1200]
    xg = jnp.zeros((B, 2000), dtype=x1c.dtype)
    h = jnp.concatenate([xg, x1c], axis=1)  # [B, 3200]
    h = jax.nn.relu(h @ W1.T + b1)
    # dropout is identity in eval mode
    h = jax.nn.relu(h @ W11.T + b11)
    h = jax.nn.relu(h @ W2.T + b2)
    return h

if __name__ == "__main__":
    import jax
    _d = setup_inputs()
    print(jax.jit(kernel)(*tuple(_d.values())))

</pallas_src>

<mosaic_0001>
#map = affine_map<(d0, d1) -> (0, 0)>
#map1 = affine_map<(d0, d1) -> (0)>
module attributes {stable_mosaic.version = 14 : i64} {
  func.func @gather_kernel(%arg0: i32, %arg1: i32, %arg2: memref<5000x128xf32, #tpu.memory_space<hbm>>, %arg3: memref<3328xi32, #tpu.memory_space<hbm>>, %arg4: memref<3328x128xf32, #tpu.memory_space<hbm>>, %arg5: memref<104xi32, #tpu.memory_space<vmem>>, %arg6: memref<104x128xf32, #tpu.memory_space<vmem>>, %arg7: memref<!tpu.dma_semaphore, #tpu.memory_space<semaphore_mem>>) attributes {dimension_semantics = [#tpu.dimension_semantics<core_parallel>, #tpu.dimension_semantics<subcore_parallel>], iteration_bounds = array<i64: 2, 16>, scalar_prefetch = 0 : i64, scratch_operands = 3 : i64, tpu.core_type = #tpu.core_type<sc_vector_subcore>, window_params = [{transform_indices = #map}, {transform_indices = #map1}, {transform_indices = #map}]} {
    %mul3A = arith.constant 2 : i32
    %mul3A_0 = arith.muli %arg1, %mul3A : i32
    %add3A = arith.addi %mul3A_0, %arg0 : i32
    %mul3A_1 = arith.constant 104 : i32
    %mul3A_2 = arith.muli %add3A, %mul3A_1 : i32
    "tpu.region"() ({
      %run_scoped3A = tpu.sem_alloc : memref<!tpu.dma_semaphore, #tpu.memory_space<semaphore_mem>>
      %dma_start3A_7 = tpu.memref_slice %arg3[%mul3A_2] : memref<3328xi32, #tpu.memory_space<hbm>> -> memref<104xi32, #tpu.memory_space<hbm>>
      %dma_start3A_8 = tpu.memref_slice %arg3[%mul3A_2] : memref<3328xi32, #tpu.memory_space<hbm>> -> memref<104xi32, #tpu.memory_space<hbm>>
      tpu.enqueue_dma source(%dma_start3A_8 : memref<104xi32, #tpu.memory_space<hbm>>) target(%arg5 : memref<104xi32, #tpu.memory_space<vmem>>) target_semaphore(%run_scoped3A : memref<!tpu.dma_semaphore, #tpu.memory_space<semaphore_mem>>)
      %dma_wait3A_9 = tpu.memref_slice %arg3[%mul3A_2] : memref<3328xi32, #tpu.memory_space<hbm>> -> memref<104xi32, #tpu.memory_space<hbm>>
      %dma_wait3A_10 = tpu.memref_slice %arg3[%mul3A_2] : memref<3328xi32, #tpu.memory_space<hbm>> -> memref<104xi32, #tpu.memory_space<hbm>>
      tpu.wait_dma2 semaphore(%run_scoped3A : memref<!tpu.dma_semaphore, #tpu.memory_space<semaphore_mem>>) src(%dma_wait3A_10 : memref<104xi32, #tpu.memory_space<hbm>>) dst(%arg5 : memref<104xi32, #tpu.memory_space<vmem>>)
      tpu.yield
    }) : () -> ()
    %dma_start3A = arith.constant 0 : i32
    %dma_start3A_3 = arith.constant 0 : i32
    %dma_start3A_4 = tpu.memref_slice %arg2[%dma_start3A, %dma_start3A_3] : memref<5000x128xf32, #tpu.memory_space<hbm>> -> memref<5000x128xf32, #tpu.memory_space<hbm>>
    tpu.enqueue_indirect_dma source(%dma_start3A_4 : memref<5000x128xf32, #tpu.memory_space<hbm>>) target(%arg6 : memref<104x128xf32, #tpu.memory_space<vmem>>) offsets(%arg5 : memref<104xi32, #tpu.memory_space<vmem>>) semaphore(%arg7 : memref<!tpu.dma_semaphore, #tpu.memory_space<semaphore_mem>>)
    %dma_wait3A = arith.constant 0 : i32
    %dma_wait3A_5 = arith.constant 0 : i32
    %dma_wait3A_6 = tpu.memref_slice %arg2[%dma_wait3A, %dma_wait3A_5] : memref<5000x128xf32, #tpu.memory_space<hbm>> -> memref<5000x128xf32, #tpu.memory_space<hbm>>
    tpu.wait_indirect_dma semaphore(%arg7 : memref<!tpu.dma_semaphore, #tpu.memory_space<semaphore_mem>>) src(%dma_wait3A_6 : memref<5000x128xf32, #tpu.memory_space<hbm>>) dst(%arg6 : memref<104x128xf32, #tpu.memory_space<vmem>>)
    "tpu.region"() ({
      %run_scoped3A = tpu.sem_alloc : memref<!tpu.dma_semaphore, #tpu.memory_space<semaphore_mem>>
      %dma_start3A_7 = arith.constant 0 : i32
      %dma_start3A_8 = tpu.memref_slice %arg4[%mul3A_2, %dma_start3A_7] : memref<3328x128xf32, #tpu.memory_space<hbm>> -> memref<104x128xf32, #tpu.memory_space<hbm>>
      %dma_start3A_9 = arith.constant 0 : i32
      %dma_start3A_10 = tpu.memref_slice %arg4[%mul3A_2, %dma_start3A_9] : memref<3328x128xf32, #tpu.memory_space<hbm>> -> memref<104x128xf32, #tpu.memory_space<hbm>>
      tpu.enqueue_dma source(%arg6 : memref<104x128xf32, #tpu.memory_space<vmem>>) target(%dma_start3A_10 : memref<104x128xf32, #tpu.memory_space<hbm>>) target_semaphore(%run_scoped3A : memref<!tpu.dma_semaphore, #tpu.memory_space<semaphore_mem>>)
      %dma_wait3A_11 = arith.constant 0 : i32
      %dma_wait3A_12 = tpu.memref_slice %arg4[%mul3A_2, %dma_wait3A_11] : memref<3328x128xf32, #tpu.memory_space<hbm>> -> memref<104x128xf32, #tpu.memory_space<hbm>>
      %dma_wait3A_13 = arith.constant 0 : i32
      %dma_wait3A_14 = tpu.memref_slice %arg4[%mul3A_2, %dma_wait3A_13] : memref<3328x128xf32, #tpu.memory_space<hbm>> -> memref<104x128xf32, #tpu.memory_space<hbm>>
      tpu.wait_dma2 semaphore(%run_scoped3A : memref<!tpu.dma_semaphore, #tpu.memory_space<semaphore_mem>>) src(%arg6 : memref<104x128xf32, #tpu.memory_space<vmem>>) dst(%dma_wait3A_14 : memref<104x128xf32, #tpu.memory_space<hbm>>)
      tpu.yield
    }) : () -> ()
    return
  }
}

module attributes {stable_mosaic.version = 14 : i64} {
  func.func @_tc_body(%arg0: i32, %arg1: memref<3328x128xf32, #tpu.memory_space<vmem>>, %arg2: memref<2x768x128xbf16, #tpu.memory_space<vmem>>, %arg3: memref<4x768x512xbf16, #tpu.memory_space<vmem>>, %arg4: memref<6x256x768xbf16, #tpu.memory_space<vmem>>, %arg5: memref<6x768xf32, #tpu.memory_space<vmem>>, %arg6: memref<6x768xf32, #tpu.memory_space<vmem>>, %arg7: memref<1000x640xf32, #tpu.memory_space<vmem>>, %arg8: memref<1000x640xf32, #tpu.memory_space<vmem>>, %arg9: memref<1x1000xf32, #tpu.memory_space<vmem>>, %arg10: memref<500x1000xf32, #tpu.memory_space<vmem>>, %arg11: memref<1x500xf32, #tpu.memory_space<vmem>>, %arg12: memref<128x500xf32, #tpu.memory_space<vmem>>, %arg13: memref<1x128xf32, #tpu.memory_space<vmem>>, %arg14: memref<64x128xf32, #tpu.memory_space<vmem>>, %arg15: memref<3200x768xf32, #tpu.memory_space<vmem>>, %arg16: memref<3200x768xf32, #tpu.memory_space<vmem>>, %arg17: memref<3200x512xbf16, #tpu.memory_space<vmem>>, %arg18: memref<3200x512xbf16, #tpu.memory_space<vmem>>) attributes {dimension_semantics = [#tpu.dimension_semantics<arbitrary>], iteration_bounds = array<i64: 1>, scalar_prefetch = 0 : i64, scratch_operands = 4 : i64, tpu.core_type = #tpu.core_type<tc>, window_params = [{pipeline_mode = #tpu.pipeline_mode<synchronous>, transform_indices = @transform_0, window_bounds = array<i64: 3328, 128>}, {pipeline_mode = #tpu.pipeline_mode<synchronous>, transform_indices = @transform_1, window_bounds = array<i64: 2, 768, 128>}, {pipeline_mode = #tpu.pipeline_mode<synchronous>, transform_indices = @transform_2, window_bounds = array<i64: 4, 768, 512>}, {pipeline_mode = #tpu.pipeline_mode<synchronous>, transform_indices = @transform_3, window_bounds = array<i64: 6, 256, 768>}, {pipeline_mode = #tpu.pipeline_mode<synchronous>, transform_indices = @transform_4, window_bounds = array<i64: 6, 768>}, {pipeline_mode = #tpu.pipeline_mode<synchronous>, transform_indices = @transform_5, window_bounds = array<i64: 6, 768>}, {transform_indices = @transform_6, window_bounds = array<i64: 1000, 640>}, {transform_indices = @transform_7, window_bounds = array<i64: 1000, 640>}, {pipeline_mode = #tpu.pipeline_mode<synchronous>, transform_indices = @transform_8, window_bounds = array<i64: 1, 1000>}, {pipeline_mode = #tpu.pipeline_mode<synchronous>, transform_indices = @transform_9, window_bounds = array<i64: 500, 1000>}, {pipeline_mode = #tpu.pipeline_mode<synchronous>, transform_indices = @transform_10, window_bounds = array<i64: 1, 500>}, {pipeline_mode = #tpu.pipeline_mode<synchronous>, transform_indices = @transform_11, window_bounds = array<i64: 128, 500>}, {pipeline_mode = #tpu.pipeline_mode<synchronous>, transform_indices = @transform_12, window_bounds = array<i64: 1, 128>}, {pipeline_mode = #tpu.pipeline_mode<synchronous>, transform_indices = @transform_13, window_bounds = array<i64: 64, 128>}]} {
    %get3A = arith.constant 0 : index
    %get3A_0 = arith.constant 0 : index
    %get3A_1 = arith.constant 0 : index
    %get3A_2 = vector.load %arg2[%get3A, %get3A_0, %get3A_1] : memref<2x768x128xbf16, #tpu.memory_space<vmem>>, vector<1x768x128xbf16>
    %get3A_3 = vector.shape_cast %get3A_2 : vector<1x768x128xbf16> to vector<768x128xbf16>
    %get3A_4 = arith.constant 1 : index
    %get3A_5 = arith.constant 0 : index
    %get3A_6 = arith.constant 0 : index
    %get3A_7 = vector.load %arg2[%get3A_4, %get3A_5, %get3A_6] : memref<2x768x128xbf16, #tpu.memory_space<vmem>>, vector<1x768x128xbf16>
    %get3A_8 = vector.shape_cast %get3A_7 : vector<1x768x128xbf16> to vector<768x128xbf16>
    %get3A_9 = arith.constant 0 : index
    %get3A_10 = arith.constant 0 : index
    %get3A_11 = vector.load %arg5[%get3A_9, %get3A_10] : memref<6x768xf32, #tpu.memory_space<vmem>>, vector<1x768xf32>
    %get3A_12 = arith.constant 1 : index
    %get3A_13 = arith.constant 0 : index
    %get3A_14 = vector.load %arg5[%get3A_12, %get3A_13] : memref<6x768xf32, #tpu.memory_space<vmem>>, vector<1x768xf32>
    %get3A_15 = arith.constant 0 : index
    %get3A_16 = arith.constant 0 : index
    %get3A_17 = vector.load %arg1[%get3A_15, %get3A_16] : memref<3328x128xf32, #tpu.memory_space<vmem>>, vector<800x128xf32>
    %convert_element_type3A = arith.truncf %get3A_17 : vector<800x128xf32> to vector<800x128xbf16>
    %dot_general3A = arith.constant dense<0.000000e+00> : vector<800x768xf32>
    %dot_general3A_18 = tpu.matmul %convert_element_type3A, %get3A_3, %dot_general3A {dimension_numbers = #tpu.dot_dimension_numbers<[1], [1], [0], [0], [0, 0, 1, 0], [], []>, transpose_lhs_hint = false} : vector<800x128xbf16>, vector<768x128xbf16>, vector<800x768xf32> -> vector<800x768xf32>
    %add3A = vector.broadcast %get3A_11 : vector<1x768xf32> to vector<800x768xf32>
    %add3A_19 = arith.addf %dot_general3A_18, %add3A : vector<800x768xf32>
    %swap3A = arith.constant 0 : index
    %swap3A_20 = arith.constant 0 : index
    %swap3A_21 = vector.load %arg15[%swap3A, %swap3A_20] : memref<3200x768xf32, #tpu.memory_space<vmem>>, vector<800x768xf32>
    tpu.vector_store %arg15[%swap3A, %swap3A_20], %add3A_19 {strides = array<i32>} : memref<3200x768xf32, #tpu.memory_space<vmem>>, vector<800x768xf32>,
    %dot_general3A_22 = arith.constant dense<0.000000e+00> : vector<800x768xf32>
    %dot_general3A_23 = tpu.matmul %convert_element_type3A, %get3A_8, %dot_general3A_22 {dimension_numbers = #tpu.dot_dimension_numbers<[1], [1], [0], [0], [0, 0, 1, 0], [], []>, transpose_lhs_hint = false} : vector<800x128xbf16>, vector<768x128xbf16>, vector<800x768xf32> -> vector<800x768xf32>
    %add3A_24 = vector.broadcast %get3A_14 : vector<1x768xf32> to vector<800x768xf32>
    %add3A_25 = arith.addf %dot_general3A_23, %add3A_24 : vector<800x768xf32>
    %swap3A_26 = arith.constant 0 : index
    %swap3A_27 = arith.constant 0 : index
    %swap3A_28 = vector.load %arg16[%swap3A_26, %swap3A_27] : memref<3200x768xf32, #tpu.memory_space<vmem>>, vector<800x768xf32>
    tpu.vector_store %arg16[%swap3A_26, %swap3A_27], %add3A_25 {strides = array<i32>} : memref<3200x768xf32, #tpu.memory_space<vmem>>, vector<800x768xf32>,
    %get3A_29 = arith.constant 800 : index
    %get3A_30 = arith.constant 0 : index
    %get3A_31 = vector.load %arg1[%get3A_29, %get3A_30] : memref<3328x128xf32, #tpu.memory_space<vmem>>, vector<800x128xf32>
    %convert_element_type3A_32 = arith.truncf %get3A_31 : vector<800x128xf32> to vector<800x128xbf16>
    %dot_general3A_33 = arith.constant dense<0.000000e+00> : vector<800x768xf32>
    %dot_general3A_34 = tpu.matmul %convert_element_type3A_32, %get3A_3, %dot_general3A_33 {dimension_numbers = #tpu.dot_dimension_numbers<[1], [1], [0], [0], [0, 0, 1, 0], [], []>, transpose_lhs_hint = false} : vector<800x128xbf16>, vector<768x128xbf16>, vector<800x768xf32> -> vector<800x768xf32>
    %add3A_35 = vector.broadcast %get3A_11 : vector<1x768xf32> to vector<800x768xf32>
    %add3A_36 = arith.addf %dot_general3A_34, %add3A_35 : vector<800x768xf32>
    %swap3A_37 = arith.constant 800 : index
    %swap3A_38 = arith.constant 0 : index
    %swap3A_39 = vector.load %arg15[%swap3A_37, %swap3A_38] : memref<3200x768xf32, #tpu.memory_space<vmem>>, vector<800x768xf32>
    tpu.vector_store %arg15[%swap3A_37, %swap3A_38], %add3A_36 {strides = array<i32>} : memref<3200x768xf32, #tpu.memory_space<vmem>>, vector<800x768xf32>,
    %dot_general3A_40 = arith.constant dense<0.000000e+00> : vector<800x768xf32>
    %dot_general3A_41 = tpu.matmul %convert_element_type3A_32, %get3A_8, %dot_general3A_40 {dimension_numbers = #tpu.dot_dimension_numbers<[1], [1], [0], [0], [0, 0, 1, 0], [], []>, transpose_lhs_hint = false} : vector<800x128xbf16>, vector<768x128xbf16>, vector<800x768xf32> -> vector<800x768xf32>
    %add3A_42 = vector.broadcast %get3A_14 : vector<1x768xf32> to vector<800x768xf32>
    %add3A_43 = arith.addf %dot_general3A_41, %add3A_42 : vector<800x768xf32>
    %swap3A_44 = arith.constant 800 : index
    %swap3A_45 = arith.constant 0 : index
    %swap3A_46 = vector.load %arg16[%swap3A_44, %swap3A_45] : memref<3200x768xf32, #tpu.memory_space<vmem>>, vector<800x768xf32>
    tpu.vector_store %arg16[%swap3A_44, %swap3A_45], %add3A_43 {strides = array<i32>} : memref<3200x768xf32, #tpu.memory_space<vmem>>, vector<800x768xf32>,
    %get3A_47 = arith.constant 1600 : index
    %get3A_48 = arith.constant 0 : index
    %get3A_49 = vector.load %arg1[%get3A_47, %get3A_48] : memref<3328x128xf32, #tpu.memory_space<vmem>>, vector<800x128xf32>
    %convert_element_type3A_50 = arith.truncf %get3A_49 : vector<800x128xf32> to vector<800x128xbf16>
    %dot_general3A_51 = arith.constant dense<0.000000e+00> : vector<800x768xf32>
    %dot_general3A_52 = tpu.matmul %convert_element_type3A_50, %get3A_3, %dot_general3A_51 {dimension_numbers = #tpu.dot_dimension_numbers<[1], [1], [0], [0], [0, 0, 1, 0], [], []>, transpose_lhs_hint = false} : vector<800x128xbf16>, vector<768x128xbf16>, vector<800x768xf32> -> vector<800x768xf32>
    %add3A_53 = vector.broadcast %get3A_11 : vector<1x768xf32> to vector<800x768xf32>
    %add3A_54 = arith.addf %dot_general3A_52, %add3A_53 : vector<800x768xf32>
    %swap3A_55 = arith.constant 1600 : index
    %swap3A_56 = arith.constant 0 : index
    %swap3A_57 = vector.load %arg15[%swap3A_55, %swap3A_56] : memref<3200x768xf32, #tpu.memory_space<vmem>>, vector<800x768xf32>
    tpu.vector_store %arg15[%swap3A_55, %swap3A_56], %add3A_54 {strides = array<i32>} : memref<3200x768xf32, #tpu.memory_space<vmem>>, vector<800x768xf32>,
    %dot_general3A_58 = arith.constant dense<0.000000e+00> : vector<800x768xf32>
    %dot_general3A_59 = tpu.matmul %convert_element_type3A_50, %get3A_8, %dot_general3A_58 {dimension_numbers = #tpu.dot_dimension_numbers<[1], [1], [0], [0], [0, 0, 1, 0], [], []>, transpose_lhs_hint = false} : vector<800x128xbf16>, vector<768x128xbf16>, vector<800x768xf32> -> vector<800x768xf32>
    %add3A_60 = vector.broadcast %get3A_14 : vector<1x768xf32> to vector<800x768xf32>
    %add3A_61 = arith.addf %dot_general3A_59, %add3A_60 : vector<800x768xf32>
    %swap3A_62 = arith.constant 1600 : index
    %swap3A_63 = arith.constant 0 : index
    %swap3A_64 = vector.load %arg16[%swap3A_62, %swap3A_63] : memref<3200x768xf32, #tpu.memory_space<vmem>>, vector<800x768xf32>
    tpu.vector_store %arg16[%swap3A_62, %swap3A_63], %add3A_61 {strides = array<i32>} : memref<3200x768xf32, #tpu.memory_space<vmem>>, vector<800x768xf32>,
    %get3A_65 = arith.constant 2400 : index
    %get3A_66 = arith.constant 0 : index
    %get3A_67 = vector.load %arg1[%get3A_65, %get3A_66] : memref<3328x128xf32, #tpu.memory_space<vmem>>, vector<800x128xf32>
    %convert_element_type3A_68 = arith.truncf %get3A_67 : vector<800x128xf32> to vector<800x128xbf16>
    %dot_general3A_69 = arith.constant dense<0.000000e+00> : vector<800x768xf32>
    %dot_general3A_70 = tpu.matmul %convert_element_type3A_68, %get3A_3, %dot_general3A_69 {dimension_numbers = #tpu.dot_dimension_numbers<[1], [1], [0], [0], [0, 0, 1, 0], [], []>, transpose_lhs_hint = false} : vector<800x128xbf16>, vector<768x128xbf16>, vector<800x768xf32> -> vector<800x768xf32>
    %add3A_71 = vector.broadcast %get3A_11 : vector<1x768xf32> to vector<800x768xf32>
    %add3A_72 = arith.addf %dot_general3A_70, %add3A_71 : vector<800x768xf32>
    %swap3A_73 = arith.constant 2400 : index
    %swap3A_74 = arith.constant 0 : index
    %swap3A_75 = vector.load %arg15[%swap3A_73, %swap3A_74] : memref<3200x768xf32, #tpu.memory_space<vmem>>, vector<800x768xf32>
    tpu.vector_store %arg15[%swap3A_73, %swap3A_74], %add3A_72 {strides = array<i32>} : memref<3200x768xf32, #tpu.memory_space<vmem>>, vector<800x768xf32>,
    %dot_general3A_76 = arith.constant dense<0.000000e+00> : vector<800x768xf32>
    %dot_general3A_77 = tpu.matmul %convert_element_type3A_68, %get3A_8, %dot_general3A_76 {dimension_numbers = #tpu.dot_dimension_numbers<[1], [1], [0], [0], [0, 0, 1, 0], [], []>, transpose_lhs_hint = false} : vector<800x128xbf16>, vector<768x128xbf16>, vector<800x768xf32> -> vector<800x768xf32>
    %add3A_78 = vector.broadcast %get3A_14 : vector<1x768xf32> to vector<800x768xf32>
    %add3A_79 = arith.addf %dot_general3A_77, %add3A_78 : vector<800x768xf32>
    %swap3A_80 = arith.constant 2400 : index
    %swap3A_81 = arith.constant 0 : index
    %swap3A_82 = vector.load %arg16[%swap3A_80, %swap3A_81] : memref<3200x768xf32, #tpu.memory_space<vmem>>, vector<800x768xf32>
    tpu.vector_store %arg16[%swap3A_80, %swap3A_81], %add3A_79 {strides = array<i32>} : memref<3200x768xf32, #tpu.memory_space<vmem>>, vector<800x768xf32>,
    %get3A_83 = arith.constant 0 : index
    %get3A_84 = arith.constant 0 : index
    %get3A_85 = arith.constant 0 : index
    %get3A_86 = vector.load %arg4[%get3A_83, %get3A_84, %get3A_85] : memref<6x256x768xbf16, #tpu.memory_space<vmem>>, vector<1x256x768xbf16>
    %get3A_87 = vector.shape_cast %get3A_86 : vector<1x256x768xbf16> to vector<256x768xbf16>
    %get3A_88 = arith.constant 1 : index
    %get3A_89 = arith.constant 0 : index
    %get3A_90 = arith.constant 0 : index
    %get3A_91 = vector.load %arg4[%get3A_88, %get3A_89, %get3A_90] : memref<6x256x768xbf16, #tpu.memory_space<vmem>>, vector<1x256x768xbf16>
    %get3A_92 = vector.shape_cast %get3A_91 : vector<1x256x768xbf16> to vector<256x768xbf16>
    %get3A_93 = arith.constant 0 : index
    %get3A_94 = arith.constant 0 : index
    %get3A_95 = vector.load %arg6[%get3A_93, %get3A_94] : memref<6x768xf32, #tpu.memory_space<vmem>>, vector<1x768xf32>
    %get3A_96 = arith.constant 1 : index
    %get3A_97 = arith.constant 0 : index
    %get3A_98 = vector.load %arg6[%get3A_96, %get3A_97] : memref<6x768xf32, #tpu.memory_space<vmem>>, vector<1x768xf32>
    %broadcast_in_dim3A = arith.constant 0.000000e+00 : f32
    %broadcast_in_dim3A_99 = vector.broadcast %broadcast_in_dim3A : f32 to vector<128x256xf32>
    %scan3A = arith.constant 0 : i32
    %scan3A_100 = arith.constant 50 : i32
    %scan3A_101 = arith.addi %scan3A, %scan3A_100 : i32
    %scan3A_102 = arith.constant 1 : i32
    %scan3A_103 = scf.for %scan3A_381 = %scan3A to %scan3A_101 step %scan3A_102 iter_args(%scan3A_382 = %broadcast_in_dim3A_99) -> (vector<128x256xf32>)  : i32 {
      %mul3A = arith.constant 64 : i32
      %mul3A_383 = arith.muli %scan3A_381, %mul3A : i32
      %get3A_384 = arith.index_cast %mul3A_383 : i32 to index
      %get3A_385 = arith.constant 0 : index
      %get3A_386 = vector.load %arg15[%get3A_384, %get3A_385] : memref<3200x768xf32, #tpu.memory_space<vmem>>, vector<64x768xf32>
      %mul3A_387 = arith.constant 64 : i32
      %mul3A_388 = arith.muli %scan3A_381, %mul3A_387 : i32
      %sub3A = arith.constant 3136 : i32
      %sub3A_389 = arith.subi %sub3A, %mul3A_388 : i32
      %get3A_390 = arith.index_cast %sub3A_389 : i32 to index
      %get3A_391 = arith.constant 0 : index
      %get3A_392 = vector.load %arg16[%get3A_390, %get3A_391] : memref<3200x768xf32, #tpu.memory_space<vmem>>, vector<64x768xf32>
      %concatenate3A_393 = tpu.concatenate %get3A_386, %get3A_392 in 0 : vector<64x768xf32>, vector<64x768xf32> -> vector<128x768xf32>
      %convert_element_type3A_394 = arith.truncf %scan3A_382 : vector<128x256xf32> to vector<128x256xbf16>
      %slice3A_395 = vector.extract_strided_slice %convert_element_type3A_394 {offsets = [0, 0], sizes = [64, 256], strides = [1, 1]} : vector<128x256xbf16> to vector<64x256xbf16>
      %dot_general3A_396 = arith.constant dense<0.000000e+00> : vector<64x768xf32>
      %dot_general3A_397 = tpu.matmul %slice3A_395, %get3A_87, %dot_general3A_396 {dimension_numbers = #tpu.dot_dimension_numbers<[1], [0], [0], [1], [0, 0, 1, 1], [], []>, transpose_lhs_hint = false} : vector<64x256xbf16>, vector<256x768xbf16>, vector<64x768xf32> -> vector<64x768xf32>
      %add3A_398 = vector.broadcast %get3A_95 : vector<1x768xf32> to vector<64x768xf32>
      %add3A_399 = arith.addf %dot_general3A_397, %add3A_398 : vector<64x768xf32>
      %slice3A_400 = vector.extract_strided_slice %convert_element_type3A_394 {offsets = [64, 0], sizes = [64, 256], strides = [1, 1]} : vector<128x256xbf16> to vector<64x256xbf16>
      %dot_general3A_401 = arith.constant dense<0.000000e+00> : vector<64x768xf32>
      %dot_general3A_402 = tpu.matmul %slice3A_400, %get3A_92, %dot_general3A_401 {dimension_numbers = #tpu.dot_dimension_numbers<[1], [0], [0], [1], [0, 0, 1, 1], [], []>, transpose_lhs_hint = false} : vector<64x256xbf16>, vector<256x768xbf16>, vector<64x768xf32> -> vector<64x768xf32>
      %add3A_403 = vector.broadcast %get3A_98 : vector<1x768xf32> to vector<64x768xf32>
      %add3A_404 = arith.addf %dot_general3A_402, %add3A_403 : vector<64x768xf32>
      %concatenate3A_405 = tpu.concatenate %add3A_399, %add3A_404 in 0 : vector<64x768xf32>, vector<64x768xf32> -> vector<128x768xf32>
      %slice3A_406 = vector.extract_strided_slice %concatenate3A_393 {offsets = [0, 0], sizes = [128, 512], strides = [1, 1]} : vector<128x768xf32> to vector<128x512xf32>
      %slice3A_407 = vector.extract_strided_slice %concatenate3A_405 {offsets = [0, 0], sizes = [128, 512], strides = [1, 1]} : vector<128x768xf32> to vector<128x512xf32>
      %add3A_408 = arith.addf %slice3A_406, %slice3A_407 : vector<128x512xf32>
      %logistic3A = arith.negf %add3A_408 : vector<128x512xf32>
      %logistic3A_409 = math.exp %logistic3A : vector<128x512xf32>
      %logistic3A_410 = arith.constant 1.000000e+00 : f32
      %logistic3A_411 = vector.broadcast %logistic3A_410 : f32 to vector<128x512xf32>
      %logistic3A_412 = arith.addf %logistic3A_411, %logistic3A_409 : vector<128x512xf32>
      %logistic3A_413 = arith.divf %logistic3A_411, %logistic3A_412 : vector<128x512xf32>
      %slice3A_414 = vector.extract_strided_slice %logistic3A_413 {offsets = [0, 0], sizes = [128, 256], strides = [1, 1]} : vector<128x512xf32> to vector<128x256xf32>
      %slice3A_415 = vector.extract_strided_slice %logistic3A_413 {offsets = [0, 256], sizes = [128, 256], strides = [1, 1]} : vector<128x512xf32> to vector<128x256xf32>
      %slice3A_416 = vector.extract_strided_slice %concatenate3A_393 {offsets = [0, 512], sizes = [128, 256], strides = [1, 1]} : vector<128x768xf32> to vector<128x256xf32>
      %slice3A_417 = vector.extract_strided_slice %concatenate3A_405 {offsets = [0, 512], sizes = [128, 256], strides = [1, 1]} : vector<128x768xf32> to vector<128x256xf32>
      %mul3A_418 = arith.mulf %slice3A_414, %slice3A_417 : vector<128x256xf32>
      %add3A_419 = arith.addf %slice3A_416, %mul3A_418 : vector<128x256xf32>
      %tanh3A = math.tanh %add3A_419 : vector<128x256xf32>
      %sub3A_420 = arith.constant 1.000000e+00 : f32
      %sub3A_421 = vector.broadcast %sub3A_420 : f32 to vector<128x256xf32>
      %sub3A_422 = arith.subf %sub3A_421, %slice3A_415 : vector<128x256xf32>
      %mul3A_423 = arith.mulf %sub3A_422, %tanh3A : vector<128x256xf32>
      %mul3A_424 = arith.mulf %slice3A_415, %scan3A_382 : vector<128x256xf32>
      %add3A_425 = arith.addf %mul3A_423, %mul3A_424 : vector<128x256xf32>
      %convert_element_type3A_426 = arith.truncf %add3A_425 : vector<128x256xf32> to vector<128x256xbf16>
      %slice3A_427 = vector.extract_strided_slice %convert_element_type3A_426 {offsets = [0, 0], sizes = [64, 256], strides = [1, 1]} : vector<128x256xbf16> to vector<64x256xbf16>
      %mul3A_428 = arith.constant 64 : i32
      %mul3A_429 = arith.muli %scan3A_381, %mul3A_428 : i32
      %swap3A_430 = arith.index_cast %mul3A_429 : i32 to index
      %swap3A_431 = arith.constant 0 : index
      %swap3A_432 = vector.load %arg17[%swap3A_430, %swap3A_431] : memref<3200x512xbf16, #tpu.memory_space<vmem>>, vector<64x256xbf16>
      tpu.vector_store %arg17[%swap3A_430, %swap3A_431], %slice3A_427 {strides = array<i32>} : memref<3200x512xbf16, #tpu.memory_space<vmem>>, vector<64x256xbf16>,
      %slice3A_433 = vector.extract_strided_slice %convert_element_type3A_426 {offsets = [64, 0], sizes = [64, 256], strides = [1, 1]} : vector<128x256xbf16> to vector<64x256xbf16>
      %mul3A_434 = arith.constant 64 : i32
      %mul3A_435 = arith.muli %scan3A_381, %mul3A_434 : i32
      %sub3A_436 = arith.constant 3136 : i32
      %sub3A_437 = arith.subi %sub3A_436, %mul3A_435 : i32
      %swap3A_438 = arith.index_cast %sub3A_437 : i32 to index
      %swap3A_439 = arith.constant 256 : index
      %swap3A_440 = vector.load %arg17[%swap3A_438, %swap3A_439] : memref<3200x512xbf16, #tpu.memory_space<vmem>>, vector<64x256xbf16>
      tpu.vector_store %arg17[%swap3A_438, %swap3A_439], %slice3A_433 {strides = array<i32>} : memref<3200x512xbf16, #tpu.memory_space<vmem>>, vector<64x256xbf16>,
      scf.yield %add3A_425 : vector<128x256xf32>
    }
    %scan3A_104 = arith.constant 50 : i32
    %slice3A = vector.extract_strided_slice %scan3A_103 {offsets = [0, 0], sizes = [64, 256], strides = [1, 1]} : vector<128x256xf32> to vector<64x256xf32>
    %slice3A_105 = vector.extract_strided_slice %scan3A_103 {offsets = [64, 0], sizes = [64, 256], strides = [1, 1]} : vector<128x256xf32> to vector<64x256xf32>
    %get3A_106 = arith.constant 0 : index
    %get3A_107 = arith.constant 0 : index
    %get3A_108 = arith.constant 0 : index
    %get3A_109 = vector.load %arg3[%get3A_106, %get3A_107, %get3A_108] : memref<4x768x512xbf16, #tpu.memory_space<vmem>>, vector<1x768x512xbf16>
    %get3A_110 = vector.shape_cast %get3A_109 : vector<1x768x512xbf16> to vector<768x512xbf16>
    %get3A_111 = arith.constant 1 : index
    %get3A_112 = arith.constant 0 : index
    %get3A_113 = arith.constant 0 : index
    %get3A_114 = vector.load %arg3[%get3A_111, %get3A_112, %get3A_113] : memref<4x768x512xbf16, #tpu.memory_space<vmem>>, vector<1x768x512xbf16>
    %get3A_115 = vector.shape_cast %get3A_114 : vector<1x768x512xbf16> to vector<768x512xbf16>
    %get3A_116 = arith.constant 2 : index
    %get3A_117 = arith.constant 0 : index
    %get3A_118 = vector.load %arg5[%get3A_116, %get3A_117] : memref<6x768xf32, #tpu.memory_space<vmem>>, vector<1x768xf32>
    %get3A_119 = arith.constant 3 : index
    %get3A_120 = arith.constant 0 : index
    %get3A_121 = vector.load %arg5[%get3A_119, %get3A_120] : memref<6x768xf32, #tpu.memory_space<vmem>>, vector<1x768xf32>
    %get3A_122 = arith.constant 0 : index
    %get3A_123 = arith.constant 0 : index
    %get3A_124 = vector.load %arg17[%get3A_122, %get3A_123] : memref<3200x512xbf16, #tpu.memory_space<vmem>>, vector<800x512xbf16>
    %dot_general3A_125 = arith.constant dense<0.000000e+00> : vector<800x768xf32>
    %dot_general3A_126 = tpu.matmul %get3A_124, %get3A_110, %dot_general3A_125 {dimension_numbers = #tpu.dot_dimension_numbers<[1], [1], [0], [0], [0, 0, 1, 0], [], []>, transpose_lhs_hint = false} : vector<800x512xbf16>, vector<768x512xbf16>, vector<800x768xf32> -> vector<800x768xf32>
    %add3A_127 = vector.broadcast %get3A_118 : vector<1x768xf32> to vector<800x768xf32>
    %add3A_128 = arith.addf %dot_general3A_126, %add3A_127 : vector<800x768xf32>
    %swap3A_129 = arith.constant 0 : index
    %swap3A_130 = arith.constant 0 : index
    %swap3A_131 = vector.load %arg15[%swap3A_129, %swap3A_130] : memref<3200x768xf32, #tpu.memory_space<vmem>>, vector<800x768xf32>
    tpu.vector_store %arg15[%swap3A_129, %swap3A_130], %add3A_128 {strides = array<i32>} : memref<3200x768xf32, #tpu.memory_space<vmem>>, vector<800x768xf32>,
    %dot_general3A_132 = arith.constant dense<0.000000e+00> : vector<800x768xf32>
    %dot_general3A_133 = tpu.matmul %get3A_124, %get3A_115, %dot_general3A_132 {dimension_numbers = #tpu.dot_dimension_numbers<[1], [1], [0], [0], [0, 0, 1, 0], [], []>, transpose_lhs_hint = false} : vector<800x512xbf16>, vector<768x512xbf16>, vector<800x768xf32> -> vector<800x768xf32>
    %add3A_134 = vector.broadcast %get3A_121 : vector<1x768xf32> to vector<800x768xf32>
    %add3A_135 = arith.addf %dot_general3A_133, %add3A_134 : vector<800x768xf32>
    %swap3A_136 = arith.constant 0 : index
    %swap3A_137 = arith.constant 0 : index
    %swap3A_138 = vector.load %arg16[%swap3A_136, %swap3A_137] : memref<3200x768xf32, #tpu.memory_space<vmem>>, vector<800x768xf32>
    tpu.vector_store %arg16[%swap3A_136, %swap3A_137], %add3A_135 {strides = array<i32>} : memref<3200x768xf32, #tpu.memory_space<vmem>>, vector<800x768xf32>,
    %get3A_139 = arith.constant 800 : index
    %get3A_140 = arith.constant 0 : index
    %get3A_141 = vector.load %arg17[%get3A_139, %get3A_140] : memref<3200x512xbf16, #tpu.memory_space<vmem>>, vector<800x512xbf16>
    %dot_general3A_142 = arith.constant dense<0.000000e+00> : vector<800x768xf32>
    %dot_general3A_143 = tpu.matmul %get3A_141, %get3A_110, %dot_general3A_142 {dimension_numbers = #tpu.dot_dimension_numbers<[1], [1], [0], [0], [0, 0, 1, 0], [], []>, transpose_lhs_hint = false} : vector<800x512xbf16>, vector<768x512xbf16>, vector<800x768xf32> -> vector<800x768xf32>
    %add3A_144 = vector.broadcast %get3A_118 : vector<1x768xf32> to vector<800x768xf32>
    %add3A_145 = arith.addf %dot_general3A_143, %add3A_144 : vector<800x768xf32>
    %swap3A_146 = arith.constant 800 : index
    %swap3A_147 = arith.constant 0 : index
    %swap3A_148 = vector.load %arg15[%swap3A_146, %swap3A_147] : memref<3200x768xf32, #tpu.memory_space<vmem>>, vector<800x768xf32>
    tpu.vector_store %arg15[%swap3A_146, %swap3A_147], %add3A_145 {strides = array<i32>} : memref<3200x768xf32, #tpu.memory_space<vmem>>, vector<800x768xf32>,
    %dot_general3A_149 = arith.constant dense<0.000000e+00> : vector<800x768xf32>
    %dot_general3A_150 = tpu.matmul %get3A_141, %get3A_115, %dot_general3A_149 {dimension_numbers = #tpu.dot_dimension_numbers<[1], [1], [0], [0], [0, 0, 1, 0], [], []>, transpose_lhs_hint = false} : vector<800x512xbf16>, vector<768x512xbf16>, vector<800x768xf32> -> vector<800x768xf32>
    %add3A_151 = vector.broadcast %get3A_121 : vector<1x768xf32> to vector<800x768xf32>
    %add3A_152 = arith.addf %dot_general3A_150, %add3A_151 : vector<800x768xf32>
    %swap3A_153 = arith.constant 800 : index
    %swap3A_154 = arith.constant 0 : index
    %swap3A_155 = vector.load %arg16[%swap3A_153, %swap3A_154] : memref<3200x768xf32, #tpu.memory_space<vmem>>, vector<800x768xf32>
    tpu.vector_store %arg16[%swap3A_153, %swap3A_154], %add3A_152 {strides = array<i32>} : memref<3200x768xf32, #tpu.memory_space<vmem>>, vector<800x768xf32>,
    %get3A_156 = arith.constant 1600 : index
    %get3A_157 = arith.constant 0 : index
    %get3A_158 = vector.load %arg17[%get3A_156, %get3A_157] : memref<3200x512xbf16, #tpu.memory_space<vmem>>, vector<800x512xbf16>
    %dot_general3A_159 = arith.constant dense<0.000000e+00> : vector<800x768xf32>
    %dot_general3A_160 = tpu.matmul %get3A_158, %get3A_110, %dot_general3A_159 {dimension_numbers = #tpu.dot_dimension_numbers<[1], [1], [0], [0], [0, 0, 1, 0], [], []>, transpose_lhs_hint = false} : vector<800x512xbf16>, vector<768x512xbf16>, vector<800x768xf32> -> vector<800x768xf32>
    %add3A_161 = vector.broadcast %get3A_118 : vector<1x768xf32> to vector<800x768xf32>
    %add3A_162 = arith.addf %dot_general3A_160, %add3A_161 : vector<800x768xf32>
    %swap3A_163 = arith.constant 1600 : index
    %swap3A_164 = arith.constant 0 : index
    %swap3A_165 = vector.load %arg15[%swap3A_163, %swap3A_164] : memref<3200x768xf32, #tpu.memory_space<vmem>>, vector<800x768xf32>
    tpu.vector_store %arg15[%swap3A_163, %swap3A_164], %add3A_162 {strides = array<i32>} : memref<3200x768xf32, #tpu.memory_space<vmem>>, vector<800x768xf32>,
    %dot_general3A_166 = arith.constant dense<0.000000e+00> : vector<800x768xf32>
    %dot_general3A_167 = tpu.matmul %get3A_158, %get3A_115, %dot_general3A_166 {dimension_numbers = #tpu.dot_dimension_numbers<[1], [1], [0], [0], [0, 0, 1, 0], [], []>, transpose_lhs_hint = false} : vector<800x512xbf16>, vector<768x512xbf16>, vector<800x768xf32> -> vector<800x768xf32>
    %add3A_168 = vector.broadcast %get3A_121 : vector<1x768xf32> to vector<800x768xf32>
    %add3A_169 = arith.addf %dot_general3A_167, %add3A_168 : vector<800x768xf32>
    %swap3A_170 = arith.constant 1600 : index
    %swap3A_171 = arith.constant 0 : index
    %swap3A_172 = vector.load %arg16[%swap3A_170, %swap3A_171] : memref<3200x768xf32, #tpu.memory_space<vmem>>, vector<800x768xf32>
    tpu.vector_store %arg16[%swap3A_170, %swap3A_171], %add3A_169 {strides = array<i32>} : memref<3200x768xf32, #tpu.memory_space<vmem>>, vector<800x768xf32>,
    %get3A_173 = arith.constant 2400 : index
    %get3A_174 = arith.constant 0 : index
    %get3A_175 = vector.load %arg17[%get3A_173, %get3A_174] : memref<3200x512xbf16, #tpu.memory_space<vmem>>, vector<800x512xbf16>
    %dot_general3A_176 = arith.constant dense<0.000000e+00> : vector<800x768xf32>
    %dot_general3A_177 = tpu.matmul %get3A_175, %get3A_110, %dot_general3A_176 {dimension_numbers = #tpu.dot_dimension_numbers<[1], [1], [0], [0], [0, 0, 1, 0], [], []>, transpose_lhs_hint = false} : vector<800x512xbf16>, vector<768x512xbf16>, vector<800x768xf32> -> vector<800x768xf32>
    %add3A_178 = vector.broadcast %get3A_118 : vector<1x768xf32> to vector<800x768xf32>
    %add3A_179 = arith.addf %dot_general3A_177, %add3A_178 : vector<800x768xf32>
    %swap3A_180 = arith.constant 2400 : index
    %swap3A_181 = arith.constant 0 : index
    %swap3A_182 = vector.load %arg15[%swap3A_180, %swap3A_181] : memref<3200x768xf32, #tpu.memory_space<vmem>>, vector<800x768xf32>
    tpu.vector_store %arg15[%swap3A_180, %swap3A_181], %add3A_179 {strides = array<i32>} : memref<3200x768xf32, #tpu.memory_space<vmem>>, vector<800x768xf32>,
    %dot_general3A_183 = arith.constant dense<0.000000e+00> : vector<800x768xf32>
    %dot_general3A_184 = tpu.matmul %get3A_175, %get3A_115, %dot_general3A_183 {dimension_numbers = #tpu.dot_dimension_numbers<[1], [1], [0], [0], [0, 0, 1, 0], [], []>, transpose_lhs_hint = false} : vector<800x512xbf16>, vector<768x512xbf16>, vector<800x768xf32> -> vector<800x768xf32>
    %add3A_185 = vector.broadcast %get3A_121 : vector<1x768xf32> to vector<800x768xf32>
    %add3A_186 = arith.addf %dot_general3A_184, %add3A_185 : vector<800x768xf32>
    %swap3A_187 = arith.constant 2400 : index
    %swap3A_188 = arith.constant 0 : index
    %swap3A_189 = vector.load %arg16[%swap3A_187, %swap3A_188] : memref<3200x768xf32, #tpu.memory_space<vmem>>, vector<800x768xf32>
    tpu.vector_store %arg16[%swap3A_187, %swap3A_188], %add3A_186 {strides = array<i32>} : memref<3200x768xf32, #tpu.memory_space<vmem>>, vector<800x768xf32>,
    %get3A_190 = arith.constant 2 : index
    %get3A_191 = arith.constant 0 : index
    %get3A_192 = arith.constant 0 : index
    %get3A_193 = vector.load %arg4[%get3A_190, %get3A_191, %get3A_192] : memref<6x256x768xbf16, #tpu.memory_space<vmem>>, vector<1x256x768xbf16>
    %get3A_194 = vector.shape_cast %get3A_193 : vector<1x256x768xbf16> to vector<256x768xbf16>
    %get3A_195 = arith.constant 3 : index
    %get3A_196 = arith.constant 0 : index
    %get3A_197 = arith.constant 0 : index
    %get3A_198 = vector.load %arg4[%get3A_195, %get3A_196, %get3A_197] : memref<6x256x768xbf16, #tpu.memory_space<vmem>>, vector<1x256x768xbf16>
    %get3A_199 = vector.shape_cast %get3A_198 : vector<1x256x768xbf16> to vector<256x768xbf16>
    %get3A_200 = arith.constant 2 : index
    %get3A_201 = arith.constant 0 : index
    %get3A_202 = vector.load %arg6[%get3A_200, %get3A_201] : memref<6x768xf32, #tpu.memory_space<vmem>>, vector<1x768xf32>
    %get3A_203 = arith.constant 3 : index
    %get3A_204 = arith.constant 0 : index
    %get3A_205 = vector.load %arg6[%get3A_203, %get3A_204] : memref<6x768xf32, #tpu.memory_space<vmem>>, vector<1x768xf32>
    %broadcast_in_dim3A_206 = arith.constant 0.000000e+00 : f32
    %broadcast_in_dim3A_207 = vector.broadcast %broadcast_in_dim3A_206 : f32 to vector<128x256xf32>
    %scan3A_208 = arith.constant 0 : i32
    %scan3A_209 = arith.constant 50 : i32
    %scan3A_210 = arith.addi %scan3A_208, %scan3A_209 : i32
    %scan3A_211 = arith.constant 1 : i32
    %scan3A_212 = scf.for %scan3A_381 = %scan3A_208 to %scan3A_210 step %scan3A_211 iter_args(%scan3A_382 = %broadcast_in_dim3A_207) -> (vector<128x256xf32>)  : i32 {
      %mul3A = arith.constant 64 : i32
      %mul3A_383 = arith.muli %scan3A_381, %mul3A : i32
      %get3A_384 = arith.index_cast %mul3A_383 : i32 to index
      %get3A_385 = arith.constant 0 : index
      %get3A_386 = vector.load %arg15[%get3A_384, %get3A_385] : memref<3200x768xf32, #tpu.memory_space<vmem>>, vector<64x768xf32>
      %mul3A_387 = arith.constant 64 : i32
      %mul3A_388 = arith.muli %scan3A_381, %mul3A_387 : i32
      %sub3A = arith.constant 3136 : i32
      %sub3A_389 = arith.subi %sub3A, %mul3A_388 : i32
      %get3A_390 = arith.index_cast %sub3A_389 : i32 to index
      %get3A_391 = arith.constant 0 : index
      %get3A_392 = vector.load %arg16[%get3A_390, %get3A_391] : memref<3200x768xf32, #tpu.memory_space<vmem>>, vector<64x768xf32>
      %concatenate3A_393 = tpu.concatenate %get3A_386, %get3A_392 in 0 : vector<64x768xf32>, vector<64x768xf32> -> vector<128x768xf32>
      %convert_element_type3A_394 = arith.truncf %scan3A_382 : vector<128x256xf32> to vector<128x256xbf16>
      %slice3A_395 = vector.extract_strided_slice %convert_element_type3A_394 {offsets = [0, 0], sizes = [64, 256], strides = [1, 1]} : vector<128x256xbf16> to vector<64x256xbf16>
      %dot_general3A_396 = arith.constant dense<0.000000e+00> : vector<64x768xf32>
      %dot_general3A_397 = tpu.matmul %slice3A_395, %get3A_194, %dot_general3A_396 {dimension_numbers = #tpu.dot_dimension_numbers<[1], [0], [0], [1], [0, 0, 1, 1], [], []>, transpose_lhs_hint = false} : vector<64x256xbf16>, vector<256x768xbf16>, vector<64x768xf32> -> vector<64x768xf32>
      %add3A_398 = vector.broadcast %get3A_202 : vector<1x768xf32> to vector<64x768xf32>
      %add3A_399 = arith.addf %dot_general3A_397, %add3A_398 : vector<64x768xf32>
      %slice3A_400 = vector.extract_strided_slice %convert_element_type3A_394 {offsets = [64, 0], sizes = [64, 256], strides = [1, 1]} : vector<128x256xbf16> to vector<64x256xbf16>
      %dot_general3A_401 = arith.constant dense<0.000000e+00> : vector<64x768xf32>
      %dot_general3A_402 = tpu.matmul %slice3A_400, %get3A_199, %dot_general3A_401 {dimension_numbers = #tpu.dot_dimension_numbers<[1], [0], [0], [1], [0, 0, 1, 1], [], []>, transpose_lhs_hint = false} : vector<64x256xbf16>, vector<256x768xbf16>, vector<64x768xf32> -> vector<64x768xf32>
      %add3A_403 = vector.broadcast %get3A_205 : vector<1x768xf32> to vector<64x768xf32>
      %add3A_404 = arith.addf %dot_general3A_402, %add3A_403 : vector<64x768xf32>
      %concatenate3A_405 = tpu.concatenate %add3A_399, %add3A_404 in 0 : vector<64x768xf32>, vector<64x768xf32> -> vector<128x768xf32>
      %slice3A_406 = vector.extract_strided_slice %concatenate3A_393 {offsets = [0, 0], sizes = [128, 512], strides = [1, 1]} : vector<128x768xf32> to vector<128x512xf32>
      %slice3A_407 = vector.extract_strided_slice %concatenate3A_405 {offsets = [0, 0], sizes = [128, 512], strides = [1, 1]} : vector<128x768xf32> to vector<128x512xf32>
      %add3A_408 = arith.addf %slice3A_406, %slice3A_407 : vector<128x512xf32>
      %logistic3A = arith.negf %add3A_408 : vector<128x512xf32>
      %logistic3A_409 = math.exp %logistic3A : vector<128x512xf32>
      %logistic3A_410 = arith.constant 1.000000e+00 : f32
      %logistic3A_411 = vector.broadcast %logistic3A_410 : f32 to vector<128x512xf32>
      %logistic3A_412 = arith.addf %logistic3A_411, %logistic3A_409 : vector<128x512xf32>
      %logistic3A_413 = arith.divf %logistic3A_411, %logistic3A_412 : vector<128x512xf32>
      %slice3A_414 = vector.extract_strided_slice %logistic3A_413 {offsets = [0, 0], sizes = [128, 256], strides = [1, 1]} : vector<128x512xf32> to vector<128x256xf32>
      %slice3A_415 = vector.extract_strided_slice %logistic3A_413 {offsets = [0, 256], sizes = [128, 256], strides = [1, 1]} : vector<128x512xf32> to vector<128x256xf32>
      %slice3A_416 = vector.extract_strided_slice %concatenate3A_393 {offsets = [0, 512], sizes = [128, 256], strides = [1, 1]} : vector<128x768xf32> to vector<128x256xf32>
      %slice3A_417 = vector.extract_strided_slice %concatenate3A_405 {offsets = [0, 512], sizes = [128, 256], strides = [1, 1]} : vector<128x768xf32> to vector<128x256xf32>
      %mul3A_418 = arith.mulf %slice3A_414, %slice3A_417 : vector<128x256xf32>
      %add3A_419 = arith.addf %slice3A_416, %mul3A_418 : vector<128x256xf32>
      %tanh3A = math.tanh %add3A_419 : vector<128x256xf32>
      %sub3A_420 = arith.constant 1.000000e+00 : f32
      %sub3A_421 = vector.broadcast %sub3A_420 : f32 to vector<128x256xf32>
      %sub3A_422 = arith.subf %sub3A_421, %slice3A_415 : vector<128x256xf32>
      %mul3A_423 = arith.mulf %sub3A_422, %tanh3A : vector<128x256xf32>
      %mul3A_424 = arith.mulf %slice3A_415, %scan3A_382 : vector<128x256xf32>
      %add3A_425 = arith.addf %mul3A_423, %mul3A_424 : vector<128x256xf32>
      %convert_element_type3A_426 = arith.truncf %add3A_425 : vector<128x256xf32> to vector<128x256xbf16>
      %slice3A_427 = vector.extract_strided_slice %convert_element_type3A_426 {offsets = [0, 0], sizes = [64, 256], strides = [1, 1]} : vector<128x256xbf16> to vector<64x256xbf16>
      %mul3A_428 = arith.constant 64 : i32
      %mul3A_429 = arith.muli %scan3A_381, %mul3A_428 : i32
      %swap3A_430 = arith.index_cast %mul3A_429 : i32 to index
      %swap3A_431 = arith.constant 0 : index
      %swap3A_432 = vector.load %arg18[%swap3A_430, %swap3A_431] : memref<3200x512xbf16, #tpu.memory_space<vmem>>, vector<64x256xbf16>
      tpu.vector_store %arg18[%swap3A_430, %swap3A_431], %slice3A_427 {strides = array<i32>} : memref<3200x512xbf16, #tpu.memory_space<vmem>>, vector<64x256xbf16>,
      %slice3A_433 = vector.extract_strided_slice %convert_element_type3A_426 {offsets = [64, 0], sizes = [64, 256], strides = [1, 1]} : vector<128x256xbf16> to vector<64x256xbf16>
      %mul3A_434 = arith.constant 64 : i32
      %mul3A_435 = arith.muli %scan3A_381, %mul3A_434 : i32
      %sub3A_436 = arith.constant 3136 : i32
      %sub3A_437 = arith.subi %sub3A_436, %mul3A_435 : i32
      %swap3A_438 = arith.index_cast %sub3A_437 : i32 to index
      %swap3A_439 = arith.constant 256 : index
      %swap3A_440 = vector.load %arg18[%swap3A_438, %swap3A_439] : memref<3200x512xbf16, #tpu.memory_space<vmem>>, vector<64x256xbf16>
      tpu.vector_store %arg18[%swap3A_438, %swap3A_439], %slice3A_433 {strides = array<i32>} : memref<3200x512xbf16, #tpu.memory_space<vmem>>, vector<64x256xbf16>,
      scf.yield %add3A_425 : vector<128x256xf32>
    }
    %scan3A_213 = arith.constant 50 : i32
    %slice3A_214 = vector.extract_strided_slice %scan3A_212 {offsets = [0, 0], sizes = [64, 256], strides = [1, 1]} : vector<128x256xf32> to vector<64x256xf32>
    %slice3A_215 = vector.extract_strided_slice %scan3A_212 {offsets = [64, 0], sizes = [64, 256], strides = [1, 1]} : vector<128x256xf32> to vector<64x256xf32>
    %get3A_216 = arith.constant 2 : index
    %get3A_217 = arith.constant 0 : index
    %get3A_218 = arith.constant 0 : index
    %get3A_219 = vector.load %arg3[%get3A_216, %get3A_217, %get3A_218] : memref<4x768x512xbf16, #tpu.memory_space<vmem>>, vector<1x768x512xbf16>
    %get3A_220 = vector.shape_cast %get3A_219 : vector<1x768x512xbf16> to vector<768x512xbf16>
    %get3A_221 = arith.constant 3 : index
    %get3A_222 = arith.constant 0 : index
    %get3A_223 = arith.constant 0 : index
    %get3A_224 = vector.load %arg3[%get3A_221, %get3A_222, %get3A_223] : memref<4x768x512xbf16, #tpu.memory_space<vmem>>, vector<1x768x512xbf16>
    %get3A_225 = vector.shape_cast %get3A_224 : vector<1x768x512xbf16> to vector<768x512xbf16>
    %get3A_226 = arith.constant 4 : index
    %get3A_227 = arith.constant 0 : index
    %get3A_228 = vector.load %arg5[%get3A_226, %get3A_227] : memref<6x768xf32, #tpu.memory_space<vmem>>, vector<1x768xf32>
    %get3A_229 = arith.constant 5 : index
    %get3A_230 = arith.constant 0 : index
    %get3A_231 = vector.load %arg5[%get3A_229, %get3A_230] : memref<6x768xf32, #tpu.memory_space<vmem>>, vector<1x768xf32>
    %get3A_232 = arith.constant 0 : index
    %get3A_233 = arith.constant 0 : index
    %get3A_234 = vector.load %arg18[%get3A_232, %get3A_233] : memref<3200x512xbf16, #tpu.memory_space<vmem>>, vector<800x512xbf16>
    %dot_general3A_235 = arith.constant dense<0.000000e+00> : vector<800x768xf32>
    %dot_general3A_236 = tpu.matmul %get3A_234, %get3A_220, %dot_general3A_235 {dimension_numbers = #tpu.dot_dimension_numbers<[1], [1], [0], [0], [0, 0, 1, 0], [], []>, transpose_lhs_hint = false} : vector<800x512xbf16>, vector<768x512xbf16>, vector<800x768xf32> -> vector<800x768xf32>
    %add3A_237 = vector.broadcast %get3A_228 : vector<1x768xf32> to vector<800x768xf32>
    %add3A_238 = arith.addf %dot_general3A_236, %add3A_237 : vector<800x768xf32>
    %swap3A_239 = arith.constant 0 : index
    %swap3A_240 = arith.constant 0 : index
    %swap3A_241 = vector.load %arg15[%swap3A_239, %swap3A_240] : memref<3200x768xf32, #tpu.memory_space<vmem>>, vector<800x768xf32>
    tpu.vector_store %arg15[%swap3A_239, %swap3A_240], %add3A_238 {strides = array<i32>} : memref<3200x768xf32, #tpu.memory_space<vmem>>, vector<800x768xf32>,
    %dot_general3A_242 = arith.constant dense<0.000000e+00> : vector<800x768xf32>
    %dot_general3A_243 = tpu.matmul %get3A_234, %get3A_225, %dot_general3A_242 {dimension_numbers = #tpu.dot_dimension_numbers<[1], [1], [0], [0], [0, 0, 1, 0], [], []>, transpose_lhs_hint = false} : vector<800x512xbf16>, vector<768x512xbf16>, vector<800x768xf32> -> vector<800x768xf32>
    %add3A_244 = vector.broadcast %get3A_231 : vector<1x768xf32> to vector<800x768xf32>
    %add3A_245 = arith.addf %dot_general3A_243, %add3A_244 : vector<800x768xf32>
    %swap3A_246 = arith.constant 0 : index
    %swap3A_247 = arith.constant 0 : index
    %swap3A_248 = vector.load %arg16[%swap3A_246, %swap3A_247] : memref<3200x768xf32, #tpu.memory_space<vmem>>, vector<800x768xf32>
    tpu.vector_store %arg16[%swap3A_246, %swap3A_247], %add3A_245 {strides = array<i32>} : memref<3200x768xf32, #tpu.memory_space<vmem>>, vector<800x768xf32>,
    %get3A_249 = arith.constant 800 : index
    %get3A_250 = arith.constant 0 : index
    %get3A_251 = vector.load %arg18[%get3A_249, %get3A_250] : memref<3200x512xbf16, #tpu.memory_space<vmem>>, vector<800x512xbf16>
    %dot_general3A_252 = arith.constant dense<0.000000e+00> : vector<800x768xf32>
    %dot_general3A_253 = tpu.matmul %get3A_251, %get3A_220, %dot_general3A_252 {dimension_numbers = #tpu.dot_dimension_numbers<[1], [1], [0], [0], [0, 0, 1, 0], [], []>, transpose_lhs_hint = false} : vector<800x512xbf16>, vector<768x512xbf16>, vector<800x768xf32> -> vector<800x768xf32>
    %add3A_254 = vector.broadcast %get3A_228 : vector<1x768xf32> to vector<800x768xf32>
    %add3A_255 = arith.addf %dot_general3A_253, %add3A_254 : vector<800x768xf32>
    %swap3A_256 = arith.constant 800 : index
    %swap3A_257 = arith.constant 0 : index
    %swap3A_258 = vector.load %arg15[%swap3A_256, %swap3A_257] : memref<3200x768xf32, #tpu.memory_space<vmem>>, vector<800x768xf32>
    tpu.vector_store %arg15[%swap3A_256, %swap3A_257], %add3A_255 {strides = array<i32>} : memref<3200x768xf32, #tpu.memory_space<vmem>>, vector<800x768xf32>,
    %dot_general3A_259 = arith.constant dense<0.000000e+00> : vector<800x768xf32>
    %dot_general3A_260 = tpu.matmul %get3A_251, %get3A_225, %dot_general3A_259 {dimension_numbers = #tpu.dot_dimension_numbers<[1], [1], [0], [0], [0, 0, 1, 0], [], []>, transpose_lhs_hint = false} : vector<800x512xbf16>, vector<768x512xbf16>, vector<800x768xf32> -> vector<800x768xf32>
    %add3A_261 = vector.broadcast %get3A_231 : vector<1x768xf32> to vector<800x768xf32>
    %add3A_262 = arith.addf %dot_general3A_260, %add3A_261 : vector<800x768xf32>
    %swap3A_263 = arith.constant 800 : index
    %swap3A_264 = arith.constant 0 : index
    %swap3A_265 = vector.load %arg16[%swap3A_263, %swap3A_264] : memref<3200x768xf32, #tpu.memory_space<vmem>>, vector<800x768xf32>
    tpu.vector_store %arg16[%swap3A_263, %swap3A_264], %add3A_262 {strides = array<i32>} : memref<3200x768xf32, #tpu.memory_space<vmem>>, vector<800x768xf32>,
    %get3A_266 = arith.constant 1600 : index
    %get3A_267 = arith.constant 0 : index
    %get3A_268 = vector.load %arg18[%get3A_266, %get3A_267] : memref<3200x512xbf16, #tpu.memory_space<vmem>>, vector<800x512xbf16>
    %dot_general3A_269 = arith.constant dense<0.000000e+00> : vector<800x768xf32>
    %dot_general3A_270 = tpu.matmul %get3A_268, %get3A_220, %dot_general3A_269 {dimension_numbers = #tpu.dot_dimension_numbers<[1], [1], [0], [0], [0, 0, 1, 0], [], []>, transpose_lhs_hint = false} : vector<800x512xbf16>, vector<768x512xbf16>, vector<800x768xf32> -> vector<800x768xf32>
    %add3A_271 = vector.broadcast %get3A_228 : vector<1x768xf32> to vector<800x768xf32>
    %add3A_272 = arith.addf %dot_general3A_270, %add3A_271 : vector<800x768xf32>
    %swap3A_273 = arith.constant 1600 : index
    %swap3A_274 = arith.constant 0 : index
    %swap3A_275 = vector.load %arg15[%swap3A_273, %swap3A_274] : memref<3200x768xf32, #tpu.memory_space<vmem>>, vector<800x768xf32>
    tpu.vector_store %arg15[%swap3A_273, %swap3A_274], %add3A_272 {strides = array<i32>} : memref<3200x768xf32, #tpu.memory_space<vmem>>, vector<800x768xf32>,
    %dot_general3A_276 = arith.constant dense<0.000000e+00> : vector<800x768xf32>
    %dot_general3A_277 = tpu.matmul %get3A_268, %get3A_225, %dot_general3A_276 {dimension_numbers = #tpu.dot_dimension_numbers<[1], [1], [0], [0], [0, 0, 1, 0], [], []>, transpose_lhs_hint = false} : vector<800x512xbf16>, vector<768x512xbf16>, vector<800x768xf32> -> vector<800x768xf32>
    %add3A_278 = vector.broadcast %get3A_231 : vector<1x768xf32> to vector<800x768xf32>
    %add3A_279 = arith.addf %dot_general3A_277, %add3A_278 : vector<800x768xf32>
    %swap3A_280 = arith.constant 1600 : index
    %swap3A_281 = arith.constant 0 : index
    %swap3A_282 = vector.load %arg16[%swap3A_280, %swap3A_281] : memref<3200x768xf32, #tpu.memory_space<vmem>>, vector<800x768xf32>
    tpu.vector_store %arg16[%swap3A_280, %swap3A_281], %add3A_279 {strides = array<i32>} : memref<3200x768xf32, #tpu.memory_space<vmem>>, vector<800x768xf32>,
    %get3A_283 = arith.constant 2400 : index
    %get3A_284 = arith.constant 0 : index
    %get3A_285 = vector.load %arg18[%get3A_283, %get3A_284] : memref<3200x512xbf16, #tpu.memory_space<vmem>>, vector<800x512xbf16>
    %dot_general3A_286 = arith.constant dense<0.000000e+00> : vector<800x768xf32>
    %dot_general3A_287 = tpu.matmul %get3A_285, %get3A_220, %dot_general3A_286 {dimension_numbers = #tpu.dot_dimension_numbers<[1], [1], [0], [0], [0, 0, 1, 0], [], []>, transpose_lhs_hint = false} : vector<800x512xbf16>, vector<768x512xbf16>, vector<800x768xf32> -> vector<800x768xf32>
    %add3A_288 = vector.broadcast %get3A_228 : vector<1x768xf32> to vector<800x768xf32>
    %add3A_289 = arith.addf %dot_general3A_287, %add3A_288 : vector<800x768xf32>
    %swap3A_290 = arith.constant 2400 : index
    %swap3A_291 = arith.constant 0 : index
    %swap3A_292 = vector.load %arg15[%swap3A_290, %swap3A_291] : memref<3200x768xf32, #tpu.memory_space<vmem>>, vector<800x768xf32>
    tpu.vector_store %arg15[%swap3A_290, %swap3A_291], %add3A_289 {strides = array<i32>} : memref<3200x768xf32, #tpu.memory_space<vmem>>, vector<800x768xf32>,
    %dot_general3A_293 = arith.constant dense<0.000000e+00> : vector<800x768xf32>
    %dot_general3A_294 = tpu.matmul %get3A_285, %get3A_225, %dot_general3A_293 {dimension_numbers = #tpu.dot_dimension_numbers<[1], [1], [0], [0], [0, 0, 1, 0], [], []>, transpose_lhs_hint = false} : vector<800x512xbf16>, vector<768x512xbf16>, vector<800x768xf32> -> vector<800x768xf32>
    %add3A_295 = vector.broadcast %get3A_231 : vector<1x768xf32> to vector<800x768xf32>
    %add3A_296 = arith.addf %dot_general3A_294, %add3A_295 : vector<800x768xf32>
    %swap3A_297 = arith.constant 2400 : index
    %swap3A_298 = arith.constant 0 : index
    %swap3A_299 = vector.load %arg16[%swap3A_297, %swap3A_298] : memref<3200x768xf32, #tpu.memory_space<vmem>>, vector<800x768xf32>
    tpu.vector_store %arg16[%swap3A_297, %swap3A_298], %add3A_296 {strides = array<i32>} : memref<3200x768xf32, #tpu.memory_space<vmem>>, vector<800x768xf32>,
    %get3A_300 = arith.constant 4 : index
    %get3A_301 = arith.constant 0 : index
    %get3A_302 = arith.constant 0 : index
    %get3A_303 = vector.load %arg4[%get3A_300, %get3A_301, %get3A_302] : memref<6x256x768xbf16, #tpu.memory_space<vmem>>, vector<1x256x768xbf16>
    %get3A_304 = vector.shape_cast %get3A_303 : vector<1x256x768xbf16> to vector<256x768xbf16>
    %get3A_305 = arith.constant 5 : index
    %get3A_306 = arith.constant 0 : index
    %get3A_307 = arith.constant 0 : index
    %get3A_308 = vector.load %arg4[%get3A_305, %get3A_306, %get3A_307] : memref<6x256x768xbf16, #tpu.memory_space<vmem>>, vector<1x256x768xbf16>
    %get3A_309 = vector.shape_cast %get3A_308 : vector<1x256x768xbf16> to vector<256x768xbf16>
    %get3A_310 = arith.constant 4 : index
    %get3A_311 = arith.constant 0 : index
    %get3A_312 = vector.load %arg6[%get3A_310, %get3A_311] : memref<6x768xf32, #tpu.memory_space<vmem>>, vector<1x768xf32>
    %get3A_313 = arith.constant 5 : index
    %get3A_314 = arith.constant 0 : index
    %get3A_315 = vector.load %arg6[%get3A_313, %get3A_314] : memref<6x768xf32, #tpu.memory_space<vmem>>, vector<1x768xf32>
    %broadcast_in_dim3A_316 = arith.constant 0.000000e+00 : f32
    %broadcast_in_dim3A_317 = vector.broadcast %broadcast_in_dim3A_316 : f32 to vector<128x256xf32>
    %scan3A_318 = arith.constant 0 : i32
    %scan3A_319 = arith.constant 50 : i32
    %scan3A_320 = arith.addi %scan3A_318, %scan3A_319 : i32
    %scan3A_321 = arith.constant 1 : i32
    %scan3A_322 = scf.for %scan3A_381 = %scan3A_318 to %scan3A_320 step %scan3A_321 iter_args(%scan3A_382 = %broadcast_in_dim3A_317) -> (vector<128x256xf32>)  : i32 {
      %mul3A = arith.constant 64 : i32
      %mul3A_383 = arith.muli %scan3A_381, %mul3A : i32
      %get3A_384 = arith.index_cast %mul3A_383 : i32 to index
      %get3A_385 = arith.constant 0 : index
      %get3A_386 = vector.load %arg15[%get3A_384, %get3A_385] : memref<3200x768xf32, #tpu.memory_space<vmem>>, vector<64x768xf32>
      %mul3A_387 = arith.constant 64 : i32
      %mul3A_388 = arith.muli %scan3A_381, %mul3A_387 : i32
      %sub3A = arith.constant 3136 : i32
      %sub3A_389 = arith.subi %sub3A, %mul3A_388 : i32
      %get3A_390 = arith.index_cast %sub3A_389 : i32 to index
      %get3A_391 = arith.constant 0 : index
      %get3A_392 = vector.load %arg16[%get3A_390, %get3A_391] : memref<3200x768xf32, #tpu.memory_space<vmem>>, vector<64x768xf32>
      %concatenate3A_393 = tpu.concatenate %get3A_386, %get3A_392 in 0 : vector<64x768xf32>, vector<64x768xf32> -> vector<128x768xf32>
      %convert_element_type3A_394 = arith.truncf %scan3A_382 : vector<128x256xf32> to vector<128x256xbf16>
      %slice3A_395 = vector.extract_strided_slice %convert_element_type3A_394 {offsets = [0, 0], sizes = [64, 256], strides = [1, 1]} : vector<128x256xbf16> to vector<64x256xbf16>
      %dot_general3A_396 = arith.constant dense<0.000000e+00> : vector<64x768xf32>
      %dot_general3A_397 = tpu.matmul %slice3A_395, %get3A_304, %dot_general3A_396 {dimension_numbers = #tpu.dot_dimension_numbers<[1], [0], [0], [1], [0, 0, 1, 1], [], []>, transpose_lhs_hint = false} : vector<64x256xbf16>, vector<256x768xbf16>, vector<64x768xf32> -> vector<64x768xf32>
      %add3A_398 = vector.broadcast %get3A_312 : vector<1x768xf32> to vector<64x768xf32>
      %add3A_399 = arith.addf %dot_general3A_397, %add3A_398 : vector<64x768xf32>
      %slice3A_400 = vector.extract_strided_slice %convert_element_type3A_394 {offsets = [64, 0], sizes = [64, 256], strides = [1, 1]} : vector<128x256xbf16> to vector<64x256xbf16>
      %dot_general3A_401 = arith.constant dense<0.000000e+00> : vector<64x768xf32>
      %dot_general3A_402 = tpu.matmul %slice3A_400, %get3A_309, %dot_general3A_401 {dimension_numbers = #tpu.dot_dimension_numbers<[1], [0], [0], [1], [0, 0, 1, 1], [], []>, transpose_lhs_hint = false} : vector<64x256xbf16>, vector<256x768xbf16>, vector<64x768xf32> -> vector<64x768xf32>
      %add3A_403 = vector.broadcast %get3A_315 : vector<1x768xf32> to vector<64x768xf32>
      %add3A_404 = arith.addf %dot_general3A_402, %add3A_403 : vector<64x768xf32>
      %concatenate3A_405 = tpu.concatenate %add3A_399, %add3A_404 in 0 : vector<64x768xf32>, vector<64x768xf32> -> vector<128x768xf32>
      %slice3A_406 = vector.extract_strided_slice %concatenate3A_393 {offsets = [0, 0], sizes = [128, 512], strides = [1, 1]} : vector<128x768xf32> to vector<128x512xf32>
      %slice3A_407 = vector.extract_strided_slice %concatenate3A_405 {offsets = [0, 0], sizes = [128, 512], strides = [1, 1]} : vector<128x768xf32> to vector<128x512xf32>
      %add3A_408 = arith.addf %slice3A_406, %slice3A_407 : vector<128x512xf32>
      %logistic3A = arith.negf %add3A_408 : vector<128x512xf32>
      %logistic3A_409 = math.exp %logistic3A : vector<128x512xf32>
      %logistic3A_410 = arith.constant 1.000000e+00 : f32
      %logistic3A_411 = vector.broadcast %logistic3A_410 : f32 to vector<128x512xf32>
      %logistic3A_412 = arith.addf %logistic3A_411, %logistic3A_409 : vector<128x512xf32>
      %logistic3A_413 = arith.divf %logistic3A_411, %logistic3A_412 : vector<128x512xf32>
      %slice3A_414 = vector.extract_strided_slice %logistic3A_413 {offsets = [0, 0], sizes = [128, 256], strides = [1, 1]} : vector<128x512xf32> to vector<128x256xf32>
      %slice3A_415 = vector.extract_strided_slice %logistic3A_413 {offsets = [0, 256], sizes = [128, 256], strides = [1, 1]} : vector<128x512xf32> to vector<128x256xf32>
      %slice3A_416 = vector.extract_strided_slice %concatenate3A_393 {offsets = [0, 512], sizes = [128, 256], strides = [1, 1]} : vector<128x768xf32> to vector<128x256xf32>
      %slice3A_417 = vector.extract_strided_slice %concatenate3A_405 {offsets = [0, 512], sizes = [128, 256], strides = [1, 1]} : vector<128x768xf32> to vector<128x256xf32>
      %mul3A_418 = arith.mulf %slice3A_414, %slice3A_417 : vector<128x256xf32>
      %add3A_419 = arith.addf %slice3A_416, %mul3A_418 : vector<128x256xf32>
      %tanh3A = math.tanh %add3A_419 : vector<128x256xf32>
      %sub3A_420 = arith.constant 1.000000e+00 : f32
      %sub3A_421 = vector.broadcast %sub3A_420 : f32 to vector<128x256xf32>
      %sub3A_422 = arith.subf %sub3A_421, %slice3A_415 : vector<128x256xf32>
      %mul3A_423 = arith.mulf %sub3A_422, %tanh3A : vector<128x256xf32>
      %mul3A_424 = arith.mulf %slice3A_415, %scan3A_382 : vector<128x256xf32>
      %add3A_425 = arith.addf %mul3A_423, %mul3A_424 : vector<128x256xf32>
      scf.yield %add3A_425 : vector<128x256xf32>
    }
    %scan3A_323 = arith.constant 50 : i32
    %slice3A_324 = vector.extract_strided_slice %scan3A_322 {offsets = [0, 0], sizes = [64, 256], strides = [1, 1]} : vector<128x256xf32> to vector<64x256xf32>
    %slice3A_325 = vector.extract_strided_slice %scan3A_322 {offsets = [64, 0], sizes = [64, 256], strides = [1, 1]} : vector<128x256xf32> to vector<64x256xf32>
    %slice3A_326 = vector.extract_strided_slice %slice3A {offsets = [0, 0], sizes = [64, 200], strides = [1, 1]} : vector<64x256xf32> to vector<64x200xf32>
    %slice3A_327 = vector.extract_strided_slice %slice3A_105 {offsets = [0, 0], sizes = [64, 200], strides = [1, 1]} : vector<64x256xf32> to vector<64x200xf32>
    %slice3A_328 = vector.extract_strided_slice %slice3A_214 {offsets = [0, 0], sizes = [64, 200], strides = [1, 1]} : vector<64x256xf32> to vector<64x200xf32>
    %slice3A_329 = vector.extract_strided_slice %slice3A_215 {offsets = [0, 0], sizes = [64, 200], strides = [1, 1]} : vector<64x256xf32> to vector<64x200xf32>
    %slice3A_330 = vector.extract_strided_slice %slice3A_324 {offsets = [0, 0], sizes = [64, 200], strides = [1, 1]} : vector<64x256xf32> to vector<64x200xf32>
    %slice3A_331 = vector.extract_strided_slice %slice3A_325 {offsets = [0, 0], sizes = [64, 200], strides = [1, 1]} : vector<64x256xf32> to vector<64x200xf32>
    %concatenate3A = tpu.concatenate %slice3A_326, %slice3A_327, %slice3A_328, %slice3A_329, %slice3A_330, %slice3A_331 in 1 : vector<64x200xf32>, vector<64x200xf32>, vector<64x200xf32>, vector<64x200xf32>, vector<64x200xf32>, vector<64x200xf32> -> vector<64x1200xf32>
    %slice3A_332 = vector.extract_strided_slice %concatenate3A {offsets = [0, 0], sizes = [64, 560], strides = [1, 1]} : vector<64x1200xf32> to vector<64x560xf32>
    %get3A_333 = arith.constant 0 : index
    %get3A_334 = arith.constant 80 : index
    %get3A_335 = vector.load %arg7[%get3A_333, %get3A_334] : memref<1000x640xf32, #tpu.memory_space<vmem>>, vector<1000x560xf32>
    %dot_general3A_336 = arith.constant dense<0.000000e+00> : vector<64x1000xf32>
    %dot_general3A_337 = tpu.matmul %slice3A_332, %get3A_335, %dot_general3A_336 {dimension_numbers = #tpu.dot_dimension_numbers<[1], [1], [0], [0], [0, 0, 1, 0], [], []>, transpose_lhs_hint = false} : vector<64x560xf32>, vector<1000x560xf32>, vector<64x1000xf32> -> vector<64x1000xf32>
    %slice3A_338 = vector.extract_strided_slice %concatenate3A {offsets = [0, 560], sizes = [64, 640], strides = [1, 1]} : vector<64x1200xf32> to vector<64x640xf32>
    %get3A_339 = arith.constant 0 : index
    %get3A_340 = arith.constant 0 : index
    %get3A_341 = vector.load %arg8[%get3A_339, %get3A_340] : memref<1000x640xf32, #tpu.memory_space<vmem>>, vector<1000x640xf32>
    %dot_general3A_342 = arith.constant dense<0.000000e+00> : vector<64x1000xf32>
    %dot_general3A_343 = tpu.matmul %slice3A_338, %get3A_341, %dot_general3A_342 {dimension_numbers = #tpu.dot_dimension_numbers<[1], [1], [0], [0], [0, 0, 1, 0], [], []>, transpose_lhs_hint = false} : vector<64x640xf32>, vector<1000x640xf32>, vector<64x1000xf32> -> vector<64x1000xf32>
    %add3A_344 = arith.addf %dot_general3A_337, %dot_general3A_343 : vector<64x1000xf32>
    %get3A_345 = arith.constant 0 : index
    %get3A_346 = arith.constant 0 : index
    %get3A_347 = vector.load %arg9[%get3A_345, %get3A_346] : memref<1x1000xf32, #tpu.memory_space<vmem>>, vector<1x1000xf32>
    %add3A_348 = vector.broadcast %get3A_347 : vector<1x1000xf32> to vector<64x1000xf32>
    %add3A_349 = arith.addf %add3A_344, %add3A_348 : vector<64x1000xf32>
    %max3A = arith.constant 0.000000e+00 : f32
    %max3A_350 = vector.broadcast %max3A : f32 to vector<64x1000xf32>
    %max3A_351 = arith.maximumf %add3A_349, %max3A_350 : vector<64x1000xf32>
    %get3A_352 = arith.constant 0 : index
    %get3A_353 = arith.constant 0 : index
    %get3A_354 = vector.load %arg10[%get3A_352, %get3A_353] : memref<500x1000xf32, #tpu.memory_space<vmem>>, vector<500x1000xf32>
    %dot_general3A_355 = arith.constant dense<0.000000e+00> : vector<64x500xf32>
    %dot_general3A_356 = tpu.matmul %max3A_351, %get3A_354, %dot_general3A_355 {dimension_numbers = #tpu.dot_dimension_numbers<[1], [1], [0], [0], [0, 0, 1, 0], [], []>, transpose_lhs_hint = false} : vector<64x1000xf32>, vector<500x1000xf32>, vector<64x500xf32> -> vector<64x500xf32>
    %get3A_357 = arith.constant 0 : index
    %get3A_358 = arith.constant 0 : index
    %get3A_359 = vector.load %arg11[%get3A_357, %get3A_358] : memref<1x500xf32, #tpu.memory_space<vmem>>, vector<1x500xf32>
    %add3A_360 = vector.broadcast %get3A_359 : vector<1x500xf32> to vector<64x500xf32>
    %add3A_361 = arith.addf %dot_general3A_356, %add3A_360 : vector<64x500xf32>
    %max3A_362 = arith.constant 0.000000e+00 : f32
    %max3A_363 = vector.broadcast %max3A_362 : f32 to vector<64x500xf32>
    %max3A_364 = arith.maximumf %add3A_361, %max3A_363 : vector<64x500xf32>
    %get3A_365 = arith.constant 0 : index
    %get3A_366 = arith.constant 0 : index
    %get3A_367 = vector.load %arg12[%get3A_365, %get3A_366] : memref<128x500xf32, #tpu.memory_space<vmem>>, vector<128x500xf32>
    %dot_general3A_368 = arith.constant dense<0.000000e+00> : vector<64x128xf32>
    %dot_general3A_369 = tpu.matmul %max3A_364, %get3A_367, %dot_general3A_368 {dimension_numbers = #tpu.dot_dimension_numbers<[1], [1], [0], [0], [0, 0, 1, 0], [], []>, transpose_lhs_hint = false} : vector<64x500xf32>, vector<128x500xf32>, vector<64x128xf32> -> vector<64x128xf32>
    %get3A_370 = arith.constant 0 : index
    %get3A_371 = arith.constant 0 : index
    %get3A_372 = vector.load %arg13[%get3A_370, %get3A_371] : memref<1x128xf32, #tpu.memory_space<vmem>>, vector<1x128xf32>
    %add3A_373 = vector.broadcast %get3A_372 : vector<1x128xf32> to vector<64x128xf32>
    %add3A_374 = arith.addf %dot_general3A_369, %add3A_373 : vector<64x128xf32>
    %max3A_375 = arith.constant 0.000000e+00 : f32
    %max3A_376 = vector.broadcast %max3A_375 : f32 to vector<64x128xf32>
    %max3A_377 = arith.maximumf %add3A_374, %max3A_376 : vector<64x128xf32>
    %swap3A_378 = arith.constant 0 : index
    %swap3A_379 = arith.constant 0 : index
    %swap3A_380 = vector.load %arg14[%swap3A_378, %swap3A_379] : memref<64x128xf32, #tpu.memory_space<vmem>>, vector<64x128xf32>
    tpu.vector_store %arg14[%swap3A_378, %swap3A_379], %max3A_377 {strides = array<i32>} : memref<64x128xf32, #tpu.memory_space<vmem>>, vector<64x128xf32>,
    return
  }
  func.func @transform_0(%arg0: i32) -> (i32, i32) {
    %c0_i32 = arith.constant 0 : i32
    %c0_i32_0 = arith.constant 0 : i32
    %c0_i32_1 = arith.constant 0 : i32
    return %c0_i32, %c0_i32_0 : i32, i32
  }
  func.func @transform_1(%arg0: i32) -> (i32, i32, i32) {
    %c0_i32 = arith.constant 0 : i32
    %c0_i32_0 = arith.constant 0 : i32
    %c0_i32_1 = arith.constant 0 : i32
    %c0_i32_2 = arith.constant 0 : i32
    return %c0_i32, %c0_i32_0, %c0_i32_1 : i32, i32, i32
  }
  func.func @transform_2(%arg0: i32) -> (i32, i32, i32) {
    %c0_i32 = arith.constant 0 : i32
    %c0_i32_0 = arith.constant 0 : i32
    %c0_i32_1 = arith.constant 0 : i32
    %c0_i32_2 = arith.constant 0 : i32
    return %c0_i32, %c0_i32_0, %c0_i32_1 : i32, i32, i32
  }
  func.func @transform_3(%arg0: i32) -> (i32, i32, i32) {
    %c0_i32 = arith.constant 0 : i32
    %c0_i32_0 = arith.constant 0 : i32
    %c0_i32_1 = arith.constant 0 : i32
    %c0_i32_2 = arith.constant 0 : i32
    return %c0_i32, %c0_i32_0, %c0_i32_1 : i32, i32, i32
  }
  func.func @transform_4(%arg0: i32) -> (i32, i32) {
    %c0_i32 = arith.constant 0 : i32
    %c0_i32_0 = arith.constant 0 : i32
    %c0_i32_1 = arith.constant 0 : i32
    return %c0_i32, %c0_i32_0 : i32, i32
  }
  func.func @transform_5(%arg0: i32) -> (i32, i32) {
    %c0_i32 = arith.constant 0 : i32
    %c0_i32_0 = arith.constant 0 : i32
    %c0_i32_1 = arith.constant 0 : i32
    return %c0_i32, %c0_i32_0 : i32, i32
  }
  func.func @transform_6(%arg0: i32) -> (i32, i32) {
    %c0_i32 = arith.constant 0 : i32
    %c3_i32 = arith.constant 3 : i32
    %c0_i32_0 = arith.constant 0 : i32
    return %c0_i32, %c3_i32 : i32, i32
  }
  func.func @transform_7(%arg0: i32) -> (i32, i32) {
    %c0_i32 = arith.constant 0 : i32
    %c4_i32 = arith.constant 4 : i32
    %c0_i32_0 = arith.constant 0 : i32
    return %c0_i32, %c4_i32 : i32, i32
  }
  func.func @transform_8(%arg0: i32) -> (i32, i32) {
    %c0_i32 = arith.constant 0 : i32
    %c0_i32_0 = arith.constant 0 : i32
    %c0_i32_1 = arith.constant 0 : i32
    return %c0_i32, %c0_i32_0 : i32, i32
  }
  func.func @transform_9(%arg0: i32) -> (i32, i32) {
    %c0_i32 = arith.constant 0 : i32
    %c0_i32_0 = arith.constant 0 : i32
    %c0_i32_1 = arith.constant 0 : i32
    return %c0_i32, %c0_i32_0 : i32, i32
  }
  func.func @transform_10(%arg0: i32) -> (i32, i32) {
    %c0_i32 = arith.constant 0 : i32
    %c0_i32_0 = arith.constant 0 : i32
    %c0_i32_1 = arith.constant 0 : i32
    return %c0_i32, %c0_i32_0 : i32, i32
  }
  func.func @transform_11(%arg0: i32) -> (i32, i32) {
    %c0_i32 = arith.constant 0 : i32
    %c0_i32_0 = arith.constant 0 : i32
    %c0_i32_1 = arith.constant 0 : i32
    return %c0_i32, %c0_i32_0 : i32, i32
  }
  func.func @transform_12(%arg0: i32) -> (i32, i32) {
    %c0_i32 = arith.constant 0 : i32
    %c0_i32_0 = arith.constant 0 : i32
    %c0_i32_1 = arith.constant 0 : i32
    return %c0_i32, %c0_i32_0 : i32, i32
  }
  func.func @transform_13(%arg0: i32) -> (i32, i32) {
    %c0_i32 = arith.constant 0 : i32
    %c0_i32_0 = arith.constant 0 : i32
    %c0_i32_1 = arith.constant 0 : i32
    return %c0_i32, %c0_i32_0 : i32, i32
  }
}

</mosaic_0001>

<sc_bundles>
// kernel: kernel.4.cloned.1.call-start
scs
__scs_entry_jumppad:
0x0: {  	(pc) =	sbr.rel $0x88, $3  }
0x1: {  	(tag) =	ssettag $0x0;
	lr =	simm.s32 $0x1  }
0x2: {  	[smem:$0x3F81] =	sst lr;
	_ =	strace $0xD0000000  }
0x3: {  	_ = 	snop  }
0x4: {  	_ = 	snop  }
0x5: {  	_ = 	snop  }
0x6: {  	_ = 	snop  }
0x7: {  	_ = 	snop  }
__scs_overlays_trampoline_lowered:
0x8: {  	[smem:$0x3F90] =	sst s0  }
0x9: {  	[smem:$0x3F91] =	sst s1  }
0xa: {  	[smem:$0x3F92] =	sst s2  }
0xb: {  	[smem:$0x3F93] =	sst s3  }
0xc: {  	[smem:$0x3F94] =	sst s4  }
0xd: {  	[smem:$0x3F95] =	sst s5  }
0xe: {  	[smem:$0x3F96] =	sst s6  }
0xf: {  	[smem:$0x3F97] =	sst s7  }
0x10: {  	[smem:$0x3F98] =	sst s8  }
0x11: {  	[smem:$0x3F99] =	sst s9;
	s0 =	simm.s32 @!p0 $0x0  }
0x12: {  	s1 =	sld [smem:$0x3F7F];
	s0 =	simm.s32 @p0 $0x1  }
0x13: {  	[smem:$0x3F9A] =	sst s0;
	s0 =	simm.s32 @!p1 $0x0  }
0x14: {  	s2 =	sld [smem:$0x3F7E];
	s0 =	simm.s32 @p1 $0x1  }
0x15: {  	[smem:$0x3F9B] =	sst s0;
	s0 =	simm.s32 @!p2 $0x0  }
0x16: {  	s3 =	sld [smem:$0x3FDB];
	s0 =	simm.s32 @p2 $0x1  }
0x17: {  	s4 =	simm.s32 $0x1BF5;
	[smem:$0x3F9D] =	sst s0  }
0x18: {  	s0 =	sld [smem:$0x3F80];
	_ =	swait.ge [sflag:s4], $0x0  }
0x19: {  	s7 =	sld [smem:$0x3F81]  }
0x1a: {  	s8 =	sadd.s32 $0xFFFFE003, lr  }
0x1b: {  	s9 =	sadd.s32 $0xFFFFFEF7, lr;
	s5 =	simm.s32 $0xFFFFFFFF;
	p2 =	slt.u32 s8, $0xFFFFF086  }
0x1c: {  	p1 =	slt.u32 s9, $0xF7A;
	s5 =	simm.s32 @!p2 $0x0  }
0x1d: {  	s5 =	simm.s32 @p1 $0x1;
	p0 =	seq.s32 s7, s2  }
0x1e: {  	s7 =	smul.u32 @!p0 $0xF7A, s2;
	p2 =	seq.s32 @!p0 s5, $0x0  }
0x1f: {  	s9 =	smul.u32 $0xF7A, s1;
	s8 =	simm.s32 @!p0 $0x1BF5;
	p2 =	por !p2, p0  }
0x20: {  	[sflag:s8] =	ssyncset.s32 @!p0 $0xFFFFF086;
	s6 =	sadd.s32 @!p0 s3, s7;
	s7 =	simm.s32 @!p0 $0x108  }
0x21: {  	s3 =	sadd.s32 s3, s9;
	s6 =	sadd.s32 @!p0 $0x88, s6;
	s7 =	simm.s32 @p2 $0x1082  }
0x22: {  	[simem:s7], [sflag:s8] =	dma.local @!p0 [hbm:s6], $0xF7A  }
0x23: {  	s9 =	sor.u32 $0xD0000000, s2;
	s6 =	simm.s32 $0x108;
	_ =	swait.ge @!p0 [sflag:s8], $0x0  }
0x24: {  	s3 =	sadd.s32 $0x88, s3;
	s6 =	simm.s32 @!p1 $0x1082;
	[sflag:s4] =	ssyncset.s32 $0xFFFFF086  }
0x25: {  	[simem:s6], [sflag:s4] =	dma.local [hbm:s3], $0xF7A  }
0x26: {  	[smem:$0x3F81] =	sst s1;
	(tag) =	ssettag s2;
	_ =	strace s9  }
0x27: {  	s1 =	sld [smem:$0x3F91]  }
0x28: {  	s2 =	sld [smem:$0x3F92]  }
0x29: {  	s4 =	sld [smem:$0x3F94]  }
0x2a: {  	p0 =	seq.s32 s5, $0x0;
	s5 =	sld [smem:$0x3F95]  }
0x2b: {  	s6 =	sld [smem:$0x3F96]  }
0x2c: {  	s7 =	sld [smem:$0x3F97]  }
0x2d: {  	s3 =	simm.s32 $0x108;
	s8 =	sld [smem:$0x3F98]  }
0x2e: {  	s3 =	simm.s32 @!p0 $0x1082;
	s9 =	sld [smem:$0x3F99]  }
0x2f: {  	lr =	sadd.s32 s0, s3;
	s0 =	sld [smem:$0x3F90]  }
0x30: {  	s3 =	sld [smem:$0x3F93]  }
0x31: {  	[smem:$0x3F9C] =	sst s10  }
0x32: {  	s10 =	sld [smem:$0x3F9A];
	_ =	sdelay $0x3  }
0x33: {  	p0 =	seq.s32 s10, $0x1;
	s10 =	sld [smem:$0x3F9C];
	_ =	sdelay $0x3  }
0x34: {  	[smem:$0x3F9C] =	sst s10  }
0x35: {  	s10 =	sld [smem:$0x3F9B];
	_ =	sdelay $0x3  }
0x36: {  	p1 =	seq.s32 s10, $0x1;
	s10 =	sld [smem:$0x3F9C];
	_ =	sdelay $0x3  }
0x37: {  	[smem:$0x3F9C] =	sst s10  }
0x38: {  	s10 =	sld [smem:$0x3F9D]  }
0x39: {  	_ = 	snop;
	(pc) =	sbr.ind lr, $3  }
0x3a: {  	_ = 	snop  }
0x3b: {  	_ = 	snop  }
0x3c: {  	p2 =	seq.s32 s10, $0x1;
	s10 =	sld [smem:$0x3F9C]  }
0x3d: {  	_ =	shalt  }
0x3e: {  	_ =	shalt  }
0x3f: {  	_ =	shalt  }
0x40: {  	_ =	shalt  }
0x41: {  	_ =	shalt  }
0x42: {  	_ =	shalt  }
0x43: {  	_ =	shalt  }
0x44: {  	_ =	shalt  }
0x45: {  	_ =	shalt  }
0x46: {  	_ =	shalt  }
0x47: {  	_ =	shalt  }
0x48: {  	_ =	shalt  }
0x49: {  	_ =	shalt  }
0x4a: {  	_ =	shalt  }
0x4b: {  	_ =	shalt  }
0x4c: {  	_ =	shalt  }
0x4d: {  	_ =	shalt  }
0x4e: {  	_ =	shalt  }
0x4f: {  	_ =	shalt  }
0x50: {  	_ =	shalt  }
0x51: {  	_ =	shalt  }
0x52: {  	_ =	shalt  }
0x53: {  	_ =	shalt  }
0x54: {  	_ =	shalt  }
0x55: {  	_ =	shalt  }
0x56: {  	_ =	shalt  }
0x57: {  	_ =	shalt  }
0x58: {  	_ =	shalt  }
0x59: {  	_ =	shalt  }
0x5a: {  	_ =	shalt  }
0x5b: {  	_ =	shalt  }
0x5c: {  	_ =	shalt  }
0x5d: {  	_ =	shalt  }
0x5e: {  	_ =	shalt  }
0x5f: {  	_ =	shalt  }
0x60: {  	_ =	shalt  }
0x61: {  	_ =	shalt  }
0x62: {  	_ =	shalt  }
0x63: {  	_ =	shalt  }
0x64: {  	_ =	shalt  }
0x65: {  	_ =	shalt  }
0x66: {  	_ =	shalt  }
0x67: {  	_ =	shalt  }
0x68: {  	_ =	shalt  }
0x69: {  	_ =	shalt  }
0x6a: {  	_ =	shalt  }
0x6b: {  	_ =	shalt  }
0x6c: {  	_ =	shalt  }
0x6d: {  	_ =	shalt  }
0x6e: {  	_ =	shalt  }
0x6f: {  	_ =	shalt  }
0x70: {  	_ =	shalt  }
0x71: {  	_ =	shalt  }
0x72: {  	_ =	shalt  }
0x73: {  	_ =	shalt  }
0x74: {  	_ =	shalt  }
0x75: {  	_ =	shalt  }
0x76: {  	_ =	shalt  }
0x77: {  	_ =	shalt  }
0x78: {  	_ =	shalt  }
0x79: {  	_ =	shalt  }
0x7a: {  	_ =	shalt  }
0x7b: {  	_ =	shalt  }
0x7c: {  	_ =	shalt  }
0x7d: {  	_ =	shalt  }
0x7e: {  	_ =	shalt  }
0x7f: {  	_ =	shalt  }
0x80: {  	_ =	shalt  }
0x81: {  	_ =	shalt  }
0x82: {  	_ =	shalt  }
0x83: {  	_ =	shalt  }
0x84: {  	_ =	shalt  }
0x85: {  	_ =	shalt  }
0x86: {  	_ =	shalt  }
0x87: {  	_ =	shalt  }
.Lfunc_end0:
.L_simem_size_0:
called_computation_lowered:
.L_overlay_start_0:
0x88: {  	s2 =	sld [smem:$0x3FD9]  }
0x89: {  	s3 =	sld [smem:$0x3FFE];
	_ =	sdelay $0x1  }
0x8a: {  	s1 =	srdreg.scid  }
0x8b: {  	s0 =	sand.u32 $0x1, s1  }
0x8c: {  	s16 =	sshll.u32 s0, $0xA;
	s2 =	sadd.s32 s3, s2  }
0x8d: {  	s2 =	sadd.s32 s2, s16  }
0x8e: {  	[smem:$0x3FA8] =	sst s2  }
0x8f: {  	_ = 	snop  }
0x90: {  	(tm) =	ssettm $0x1  }
0x91: {  	s17 =	sld [smem:$0x3FFB];
	_ =	sdelay $0x3  }
0x92: {  	_ =	strace s17  }
0x93: {  	s2 =	sld [smem:$0x3FFC];
	_ =	sdelay $0x3  }
0x94: {  	_ =	strace s2  }
0x95: {  	s2 =	sld [smem:$0x3FFD];
	_ =	sdelay $0x3  }
0x96: {  	_ =	strace s2  }
0x97: {  	_ =	strace $0x8FFFFFFF  }
0x98: {  	s18 =	sld [smem:$0x3FDB];
	_ =	sdelay $0x1  }
0x99: {  	s19 =	simm.s32 $_scs_section_size  }
0x9a: {  	s4 =	simm.s32 $_size__tile_overlayer_lowered;
	s5 =	simm.s32 $_tile_overlayer_lowered  }
0x9b: {  	s22 =	simm.s32 $0x1BFF;
	s21 =	sshll.u32 s5, $0x1;
	s2 =	sadd.s32 s19, s18  }
0x9c: {  	s6 =	simm.s32 $0x0;
	s20 =	sshll.u32 s4, $0x1;
	s4 =	sadd.s32 s21, s2  }
0x9d: {  	[timem:s6], [sflag:s22] =	dma.local [hbm:s4], s20  }
0x9e: {  	_ =	swait.ge [sflag:s22], s20  }
0x9f: {  	s3 =	ssub.s32 $0x0, s20;
	[sflag:s22] =	ssyncset.done $0x0  }
0xa0: {  	[sflag:s22] =	ssyncadd.s32 s3;
	_ =	sdelay $0x1  }
0xa1: {  	s23 =	simm.s32 $0x1B8B  }
0xa2: {  	_ =	swait.ge [sflag:s23], $0x1  }
0xa3: {  	[sflag:s23] =	ssyncset.done $0x0  }
0xa4: {  	s25 =	simm.s32 $0x1B8E;
	s24 =	sld [smem:$0x3FFE];
	[sflag:s23] =	ssyncadd.s32 $0xFFFFFFFF  }
0xa5: {  	s26 =	simm.s32 $execute0_lowered;
	[smem:$0x3FD2] =	sst s25  }
0xa6: {  	s4 =	sshll.u32 s26, $0x1;
	_ =	strace $0x80000046;
	[dreg:$0x1] =	wrdreg $0xFFFFFFFF  }
0xa7: {  	s28 =	simm.s32 $_size_execute0_lowered;
	s2 =	sadd.s32 s2, s4;
	[dreg:$0x0] =	wrdreg $0x0  }
0xa8: {  	s4 =	sshll.u32 s28, $0x1;
	[dreg:$0x2] =	wrdreg s2  }
0xa9: {  	[dreg:$0x3] =	wrdreg s4  }
0xaa: {  	[dreg:$0x4] =	wrdreg $0xC0  }
0xab: {  	_ =	task [dreg:s6], $0x5FFFF  }
0xac: {  	[dreg:$0x1] =	wrdreg $0xFFFFFFFF  }
0xad: {  	[dreg:$0x0] =	wrdreg $0x60  }
0xae: {  	[dreg:$0x2] =	wrdreg s24  }
0xaf: {  	[dreg:$0x3] =	wrdreg $0x9  }
0xb0: {  	_ =	task.clear_ibuf [dreg:s6], $0x4FFFF;
	_ =	strace $0x90000046  }
0xb1: {  	s29 =	simm.s32 $0x9;
	_ =	strace $0x80000048  }
0xb2: {  	_ =	swait.ge [sflag:s29], $0x1  }
0xb3: {  	[sflag:s29] =	ssyncadd.s32 $0xFFFFFFFF  }
0xb4: {  	_ =	strace $0x90000048  }
0xb5: {  	_ =	sfence  }
0xb6: {  	s30 =	sld [smem:$0x0];
	_ =	sdelay $0x2  }
0xb7: {  	s31 =	sshll.u32 s1, $0xD;
	s1 =	sshrl.u32 s1, $0x2  }
0xb8: {  	s3 =	sand.u32 $0x4000, s31;
	s1 =	sadd.s32 s1, s30  }
0xb9: {  	s0 =	sor.u32 s3, s0;
	s1 =	sshll.u32 s1, $0x11  }
0xba: {  	s0 =	sor.u32 s1, s0  }
0xbb: {  	s0 =	sadd.s32 $0x8F2B, s0  }
0xbc: {  	[sflag:s0] =	ssyncadd.remote.s32 $0x1  }
0xbd: {  	_ =	sfence.sel $0xFFFF  }
0xbe: {  	[dreg:$0x0] =	wrdreg $0xFFFFFFFF;
	(pc) =	sbr.abs _section_cstart, $3  }
0xbf: {  	[dreg:$0x1] =	wrdreg $0xFFFFFFFF  }
0xc0: {  	_ =	task.clear_ibuf [dreg:s6], $0x2FFFF;
	_ =	strace $0x9FFFFFFF  }
0xc1: {  	(tm) =	ssettm $0x7FFFFFFF  }
tec
execute0_lowered:
.L_overlay_start_1:
0x0: {  	(tag) =	ssettag $0x1  }
0x1: {  	s1 =	srdreg.scid;
	s0 =	stileid.u32  }
0x2: {  	s6 =	sand.u32 $0x1, s1;
	s30 =	sshll.u32 s0, $0x1  }
0x3: {  	s9 =	rddreg [dreg:$0x0];
	s7 =	sor.u32 s6, s30  }
0x4: {  	s2 =	simm.s32 $0x0;
	s1 =	rddreg [dreg:$0x1];
	s3 =	smul.u32 $0xD, s7  }
0x5: {  	s8 =	simm.s32 $0x1;
	[smem:$0x7FF] =	sst s2;
	s5 =	sadd.s32 $0x5400, s9  }
0x6: {  	_ =	strace $0x80000047;
	s11 =	ssub.s32 $0x2, s6;
	s3 =	sadd.s32 s3, s9  }
0x7: {  	s6 =	simm.s32 $0x68;
	s4 =	sadd.s32 $0x18E00, s3;
	s3 =	simm.s32 $0x2  }
0x8: {  	[tilespmem:s2], [sflag:$0x2] =	stream.linear.gather [hbm4b:s4+s2], $0x68, $0x38;
	[tilespmem:$0x3480] =	vst v63  }
0x9: {  	s10 =	smul.u32 $0x680, s7;
	s12 =	sshrl.u32 s11, $0x1;
	_ =	swait.ge [sflag:s3], $0x68  }
0xa: {  	s7 =	simm.s32 $0x80;
	s31 =	ssub.s32 s11, s12;
	[sflag:s3] =	ssyncset.done $0x0  }
0xb: {  	s9 =	sadd.s32 s10, s9;
	s10 =	smax.u32 s31, $0x1;
	[sflag:s3] =	ssyncadd.s32 $0xFFFFFF98  }
0xc: {  	[tilespmem:s7], [sflag:$0x1] =	stream.indirect.gather [hbm4b:s5+s6], $0x80, s2, s6, $0xb8;
	[tilespmem:$0x3480] =	vst v63  }
0xd: {  	p0 =	sne.s32 s10, $0x1;
	_ =	swait.ge [sflag:s8], $0x3400  }
.Ltmp0:
0xe: {  	[sflag:s8] =	ssyncset.done $0x0;
	(pc) =	sbr.rel @!p0 .LBB2_2-.Ltmp0, $4  }
0xf: {  	s9 =	sadd.s32 $0x19000, s9;
	[sflag:s8] =	ssyncadd.s32 $0xFFFFCC00  }
0x10: {  	[hbm4b:s9+s2] =	stream.linear.scatter [tilespmem:s7], [sflag:$0x2], $0x3400, $0x38;
	[tilespmem:$0x3480] =	vst v63  }
0x11: {  	_ =	swait.ge [sflag:s3], $0x3400  }
0x12: {  	s10 =	sadd.s32 $0xFFFFFFFF, s10;
	[sflag:s3] =	ssyncset.done $0x0  }
.LBB2_1:
0x13: {  	p0 =	sne.s32 s10, $0x1;
	s10 =	sadd.s32 $0xFFFFFFFF, s10;
	[sflag:s3] =	ssyncadd.s32 $0xFFFFCC00  }
0x14: {  	[tilespmem:s2], [sflag:$0x2] =	stream.linear.gather [hbm4b:s4+s2], $0x68, $0x38;
	[tilespmem:$0x3480] =	vst v63  }
0x15: {  	_ =	swait.ge [sflag:s3], $0x68  }
0x16: {  	[sflag:s3] =	ssyncset.done $0x0  }
0x17: {  	[sflag:s3] =	ssyncadd.s32 $0xFFFFFF98  }
0x18: {  	[tilespmem:s7], [sflag:$0x1] =	stream.indirect.gather [hbm4b:s5+s6], $0x80, s2, s6, $0xb8;
	[tilespmem:$0x3480] =	vst v63  }
0x19: {  	_ =	swait.ge [sflag:s8], $0x3400  }
.Ltmp1:
0x1a: {  	[sflag:s8] =	ssyncset.done $0x0;
	(pc) =	sbr.rel @p0 .LBB2_1-.Ltmp1, $4  }
0x1b: {  	[sflag:s8] =	ssyncadd.s32 $0xFFFFCC00  }
0x1c: {  	[hbm4b:s9+s2] =	stream.linear.scatter [tilespmem:s7], [sflag:$0x2], $0x3400, $0x38;
	[tilespmem:$0x3480] =	vst v63  }
0x1d: {  	_ =	swait.ge [sflag:s3], $0x3400  }
0x1e: {  	[sflag:s3] =	ssyncset.done $0x0  }
.LBB2_2:
0x1f: {  	[sflag:s3] =	ssyncadd.s32 $0xFFFFCC00  }
0x20: {  	_ =	sfence.sel $0x180000  }
0x21: {  	[bflag:$0x0] =	sbarrier.arrive $0xFFFF  }
0x22: {  	p0 =	sne.s32 s0, $0x0;
	_ =	strace $0x90000047  }
0x23: {  	s0 =	sadd.s32 @!p0 $0x100000, s1;
	[bflag:$0x2] =	sbarrier.arrive $0xFFFF  }
0x24: {  	[sflag:s0] =	ssyncadd.tile.s32 @!p0 $0x1;
	_ =	shalt  }
.Lfunc_end2:
_tile_overlayer_lowered:
.L_overlay_start_2:
0x25: {  	(tag) =	ssettag $0x2  }
0x26: {  	s0 =	rddreg [dreg:$0x0];
	s2 =	stileid.u32  }
0x27: {  	s1 =	rddreg [dreg:$0x1];
	p0 =	sne.s32 s2, $0x0  }
0x28: {  	s3 =	rddreg [dreg:$0x2];
	[bflag:$0x3] =	sbarrier.arrive $0xFFFF;
	s2 =	simm.s32 @!p0 $0x1C02  }
0x29: {  	[timem:s3], [sflag:s2] =	dma.local @!p0 [hbm:s0], s1  }
0x2a: {  	s0 =	simm.s32 @!p0 $0x2  }
0x2b: {  	_ =	swait.ge @!p0 [sflag:s0], s1  }
0x2c: {  	s1 =	ssub.s32 @!p0 $0x0, s1;
	[sflag:s0] =	ssyncset.done @!p0 $0x0  }
0x2d: {  	[sflag:s0] =	ssyncadd.s32 @!p0 s1  }
0x2e: {  	[bflag:$0x3] =	sbarrier.arrive $0xFFFF  }
0x2f: {  	_ =	shalt  }

</sc_bundles>
